<compile_context>
chip_gen: v7x
topology: tpu7x:2x2x1
jax: 0.10.2.dev20260603
libtpu: 0.0.44.dev20260713+nightly
codegen_flags: <defaults>
</compile_context>

<pallas_src>
import functools

import jax
import jax.numpy as jnp
from jax import lax
from jax.experimental import pallas as pl
from jax.experimental.pallas import tpu as pltpu
from jax.experimental.pallas import tpu_sc as plsc

NC = 2
NS = 16
NW = NC * NS
CH = 128
RB = 400


def _sc_agg(table, src1, dst1, zeros_d, npad):
    ne = src1.shape[0]
    k = ne // (NW * CH)
    d = table.shape[1]
    rp = npad // NS
    mesh = plsc.VectorSubcoreMesh(core_axis_name="c", subcore_axis_name="s",
                                  num_cores=NC, num_subcores=NS)
    scratch = [
        pltpu.VMEM((CH,), jnp.int32),
        pltpu.VMEM((CH,), jnp.int32),
        pltpu.VMEM((CH,), jnp.int32),
        pltpu.VMEM((CH,), jnp.int32),
        pltpu.VMEM((CH, d), jnp.float32),
        pltpu.VMEM((CH, d), jnp.float32),
        pltpu.VMEM_SHARED((npad, d), jnp.float32),
        pltpu.SemaphoreType.DMA,
        pltpu.SemaphoreType.DMA,
    ]

    @functools.partial(
        pl.kernel, out_type=jax.ShapeDtypeStruct((NC * npad, d), jnp.float32),
        mesh=mesh, scratch_types=scratch)
    def k_fn(table_h, src_h, dst_h, zd_h, sum_h,
             sidx_a, didx_a, sidx_b, didx_b, rows_a, rows_b, acc,
             sem_a, sem_b):
        c = lax.axis_index("c")
        s = lax.axis_index("s")
        wid = s * NC + c

        def stage(j, sidx, didx):
            base = (wid * k + jnp.minimum(j, k - 1)) * CH
            pltpu.sync_copy(src_h.at[pl.ds(base, CH)], sidx)
            pltpu.sync_copy(dst_h.at[pl.ds(base, CH)], didx)

        pltpu.sync_copy(zd_h, acc.at[pl.ds(s * rp, rp)])
        plsc.subcore_barrier()

        stage(0, sidx_a, didx_a)
        pltpu.async_copy(table_h.at[sidx_a], rows_a, sem_a)

        def pair(i, cc):
            j0 = 2 * i
            stage(j0 + 1, sidx_b, didx_b)
            pltpu.make_async_copy(table_h.at[sidx_a], rows_a, sem_a).wait()
            pltpu.async_copy(table_h.at[sidx_b], rows_b, sem_b)
            pltpu.sync_copy(rows_a, acc.at[didx_a], add=True)
            stage(j0 + 2, sidx_a, didx_a)
            pltpu.make_async_copy(table_h.at[sidx_b], rows_b, sem_b).wait()
            pltpu.async_copy(table_h.at[sidx_a], rows_a, sem_a)

            @pl.when(j0 + 1 <= k - 1)
            def _():
                pltpu.sync_copy(rows_b, acc.at[didx_b], add=True)
            return cc
        lax.fori_loop(0, (k + 1) // 2, pair, 0)
        pltpu.make_async_copy(table_h.at[sidx_a], rows_a, sem_a).wait()

        plsc.subcore_barrier()
        pltpu.sync_copy(acc.at[pl.ds(s * rp, rp)],
                        sum_h.at[pl.ds(c * npad + s * rp, rp)])

    return k_fn(table, src1, dst1, zeros_d)


def _sc_count(dst1, zeros_d, ones_d, npad):
    ne = dst1.shape[0]
    k = ne // (NW * CH)
    d = ones_d.shape[1]
    rp = npad // NS
    mesh = plsc.VectorSubcoreMesh(core_axis_name="c", subcore_axis_name="s",
                                  num_cores=NC, num_subcores=NS)
    scratch = [
        pltpu.VMEM((CH,), jnp.int32),
        pltpu.VMEM((CH, d), jnp.float32),
        pltpu.VMEM_SHARED((npad, d), jnp.float32),
    ]

    @functools.partial(
        pl.kernel, out_type=jax.ShapeDtypeStruct((NC * npad, d), jnp.float32),
        mesh=mesh, scratch_types=scratch)
    def k_fn(dst_h, zd_h, od_h, cnt_h, didx, ones_v, acc):
        c = lax.axis_index("c")
        s = lax.axis_index("s")
        wid = s * NC + c
        pltpu.sync_copy(zd_h, acc.at[pl.ds(s * rp, rp)])
        pltpu.sync_copy(od_h, ones_v)
        plsc.subcore_barrier()

        def chunk(j, cc):
            base = (wid * k + j) * CH
            pltpu.sync_copy(dst_h.at[pl.ds(base, CH)], didx)
            pltpu.sync_copy(ones_v, acc.at[didx], add=True)
            return cc
        lax.fori_loop(0, k, chunk, 0)

        plsc.subcore_barrier()
        pltpu.sync_copy(acc.at[pl.ds(s * rp, rp)],
                        cnt_h.at[pl.ds(c * npad + s * rp, rp)])

    return k_fn(dst1, zeros_d, ones_d)


def _dot(a, b):
    return jnp.dot(a, b, preferred_element_type=jnp.float32)


def _tc1_body(sum_ref, cnt_ref, x_ref, wl, bl, wr, vl, vb, vr, l1_ref, g1_ref):
    scount = jnp.maximum(cnt_ref[0, :, 0:1] + cnt_ref[1, :, 0:1], 1.0)
    mean = (sum_ref[0] + sum_ref[1]) / scount
    xb = x_ref[...]
    l1_ref[...] = jnp.maximum(
        _dot(mean, wl[...]) + bl[...] + _dot(xb, wr[...]), 0.0)
    g1_ref[...] = jnp.maximum(
        _dot(mean, vl[...]) + vb[...] + _dot(xb, vr[...]), 0.0)


def _tc2_body(suml_ref, sumg_ref, cnt_ref, l1_ref, g1_ref,
              wl, bl, wr, vl, vb, vr, wc1a, wc1b, bc1, wc2, bc2, out_ref):
    scount = jnp.maximum(cnt_ref[0, :, 0:1] + cnt_ref[1, :, 0:1], 1.0)
    ml = (suml_ref[0] + suml_ref[1]) / scount
    mg = (sumg_ref[0] + sumg_ref[1]) / scount
    l2 = _dot(ml, wl[...]) + bl[...] + _dot(l1_ref[...], wr[...])
    g2 = _dot(mg, vl[...]) + vb[...] + _dot(g1_ref[...], vr[...])
    h = jnp.maximum(_dot(l2, wc1a[...]) + _dot(g2, wc1b[...]) + bc1[...], 0.0)
    out_ref[...] = _dot(h, wc2[...]) + bc2[...]


def kernel(x, edge_index, Wl1, bl1, Wr1, Wl2, bl2, Wr2,
           Vl1, vb1, Vr1, Vl2, vb2, Vr2, Wc1, bc1, Wc2, bc2):
    n, d = x.shape
    e = edge_index.shape[1]
    o = Wc2.shape[0]
    h = Wl1.shape[0]

    epw = CH * NW
    epad = -(-e // epw) * epw
    npad = -(-n // (NS * 8)) * (NS * 8)
    if npad == n:
        npad += NS * 8
    rp = npad // NS

    src = edge_index[0]
    dst = edge_index[1]
    pad = epad - e
    src1 = jnp.concatenate([src, jnp.zeros((pad,), jnp.int32)])
    dst1 = jnp.concatenate(
        [dst, n + (jnp.arange(pad, dtype=jnp.int32) % (npad - n))])

    zeros_d = jnp.zeros((rp, d), jnp.float32)
    ones_d = jnp.zeros((CH, d), jnp.float32).at[:, 0].set(1.0)

    sum_x = _sc_agg(x, src1, dst1, zeros_d, npad).reshape(NC, npad, d)
    cnt = _sc_count(dst1, zeros_d, ones_d, npad).reshape(NC, npad, d)

    grid = (n // RB,)
    wspec = pl.BlockSpec((d, h), lambda i: (0, 0))
    bspec = pl.BlockSpec((1, h), lambda i: (0, 0))
    rowspec = pl.BlockSpec((RB, d), lambda i: (i, 0))
    sumspec = pl.BlockSpec((NC, RB, d), lambda i: (0, i, 0))
    l1, g1 = pl.pallas_call(
        _tc1_body,
        grid=grid,
        in_specs=[sumspec, sumspec, rowspec,
                  wspec, bspec, wspec, wspec, bspec, wspec],
        out_specs=[rowspec, rowspec],
        out_shape=[jax.ShapeDtypeStruct((n, h), jnp.float32)] * 2,
    )(sum_x, cnt, x,
      Wl1.T, bl1.reshape(1, h), Wr1.T, Vl1.T, vb1.reshape(1, h), Vr1.T)

    sum_l = _sc_agg(l1, src1, dst1, zeros_d, npad).reshape(NC, npad, d)
    sum_g = _sc_agg(g1, src1, dst1, zeros_d, npad).reshape(NC, npad, d)

    wc2p = jnp.zeros((h, 128), jnp.float32).at[:, :o].set(Wc2.T)
    bc2p = jnp.zeros((1, 128), jnp.float32).at[0, :o].set(bc2)
    outspec = pl.BlockSpec((RB, 128), lambda i: (i, 0))
    outp = pl.pallas_call(
        _tc2_body,
        grid=grid,
        in_specs=[sumspec, sumspec, sumspec, rowspec, rowspec,
                  wspec, bspec, wspec, wspec, bspec, wspec,
                  wspec, wspec, bspec,
                  pl.BlockSpec((h, 128), lambda i: (0, 0)), bspec],
        out_specs=outspec,
        out_shape=jax.ShapeDtypeStruct((n, 128), jnp.float32),
    )(sum_l, sum_g, cnt, l1, g1,
      Wl2.T, bl2.reshape(1, h), Wr2.T, Vl2.T, vb2.reshape(1, h), Vr2.T,
      Wc1[:, :h].T, Wc1[:, h:].T, bc1.reshape(1, h), wc2p, bc2p)
    return outp[:, :o]

# --- scband reference (transcript-rebuilt; emitter-appended) ---
"""Pipeline reference for scband-dpgnn-37958920962736 (READ-ONLY COPY).

The authoritative reference and input builder live on the scoring server;
editing this copy changes nothing except your own understanding.
"""

import jax, jax.numpy as jnp
import numpy as np

N = 10000
E = 320000
D = 128
H = 128
O = 40


def setup_inputs(seed: int = 0) -> dict:
    key = jax.random.key(seed)
    ks = jax.random.split(key, 20)
    s = 0.05
    inp = {}
    inp["x"] = jax.random.normal(ks[0], (N, D), dtype=jnp.float32)
    inp["edge_index"] = jax.random.randint(ks[1], (2, E), 0, N, dtype=jnp.int32)
    # local_conv1: SAGEConv(D, H)  -> lin_l (with bias), lin_r (no bias)
    inp["Wl1"] = jax.random.normal(ks[2], (H, D), dtype=jnp.float32) * s
    inp["bl1"] = jnp.zeros((H,), dtype=jnp.float32)
    inp["Wr1"] = jax.random.normal(ks[3], (H, D), dtype=jnp.float32) * s
    # local_conv2: SAGEConv(H, H)
    inp["Wl2"] = jax.random.normal(ks[4], (H, H), dtype=jnp.float32) * s
    inp["bl2"] = jnp.zeros((H,), dtype=jnp.float32)
    inp["Wr2"] = jax.random.normal(ks[5], (H, H), dtype=jnp.float32) * s
    # global_conv1: SAGEConv(D, H)
    inp["Vl1"] = jax.random.normal(ks[6], (H, D), dtype=jnp.float32) * s
    inp["vb1"] = jnp.zeros((H,), dtype=jnp.float32)
    inp["Vr1"] = jax.random.normal(ks[7], (H, D), dtype=jnp.float32) * s
    # global_conv2: SAGEConv(H, H)
    inp["Vl2"] = jax.random.normal(ks[8], (H, H), dtype=jnp.float32) * s
    inp["vb2"] = jnp.zeros((H,), dtype=jnp.float32)
    inp["Vr2"] = jax.random.normal(ks[9], (H, H), dtype=jnp.float32) * s
    # classifier: Linear(2H, H) -> ReLU -> Dropout(eval: identity) -> Linear(H, O)
    inp["Wc1"] = jax.random.normal(ks[10], (H, 2 * H), dtype=jnp.float32) * s
    inp["bc1"] = jnp.zeros((H,), dtype=jnp.float32)
    inp["Wc2"] = jax.random.normal(ks[11], (O, H), dtype=jnp.float32) * s
    inp["bc2"] = jnp.zeros((O,), dtype=jnp.float32)
    return inp


def _sage_conv(x, src, dst, Wl, bl, Wr):
    # PyG SAGEConv with mean aggregation: out = lin_l(mean_j x_j) + lin_r(x)
    msg = jnp.take(x, src, axis=0)
    agg = jax.ops.segment_sum(msg, dst, num_segments=N)
    cnt = jax.ops.segment_sum(jnp.ones((src.shape[0],), dtype=x.dtype), dst, num_segments=N)
    mean = agg / jnp.maximum(cnt, 1.0)[:, None]
    return mean @ Wl.T + bl + x @ Wr.T


def reference(x, edge_index, Wl1, bl1, Wr1, Wl2, bl2, Wr2,
              Vl1, vb1, Vr1, Vl2, vb2, Vr2, Wc1, bc1, Wc2, bc2):
    src = edge_index[0]
    dst = edge_index[1]
    l = jax.nn.relu(_sage_conv(x, src, dst, Wl1, bl1, Wr1))
    l = _sage_conv(l, src, dst, Wl2, bl2, Wr2)
    g = jax.nn.relu(_sage_conv(x, src, dst, Vl1, vb1, Vr1))
    g = _sage_conv(g, src, dst, Vl2, vb2, Vr2)
    combined = jnp.concatenate([l, g], axis=-1)
    h = jax.nn.relu(combined @ Wc1.T + bc1)
    # Dropout(p=0.5) is identity in eval mode
    out = h @ Wc2.T + bc2
    return out

if __name__ == "__main__":
    import jax
    _d = setup_inputs()
    print(jax.jit(kernel)(*tuple(_d.values())))

</pallas_src>

<mosaic_0001>
#map = affine_map<(d0, d1) -> (0, 0)>
#map1 = affine_map<(d0, d1) -> (0)>
module attributes {stable_mosaic.version = 14 : i64} {
  func.func @k_fn(%arg0: i32, %arg1: i32, %arg2: memref<10000x128xf32, #tpu.memory_space<hbm>>, %arg3: memref<323584xi32, #tpu.memory_space<hbm>>, %arg4: memref<323584xi32, #tpu.memory_space<hbm>>, %arg5: memref<632x128xf32, #tpu.memory_space<hbm>>, %arg6: memref<20224x128xf32, #tpu.memory_space<hbm>>, %arg7: memref<128xi32, #tpu.memory_space<vmem>>, %arg8: memref<128xi32, #tpu.memory_space<vmem>>, %arg9: memref<128xi32, #tpu.memory_space<vmem>>, %arg10: memref<128xi32, #tpu.memory_space<vmem>>, %arg11: memref<128x128xf32, #tpu.memory_space<vmem>>, %arg12: memref<128x128xf32, #tpu.memory_space<vmem>>, %arg13: memref<10112x128xf32, #tpu.memory_space<vmem_shared>>, %arg14: memref<!tpu.dma_semaphore, #tpu.memory_space<semaphore_mem>>, %arg15: memref<!tpu.dma_semaphore, #tpu.memory_space<semaphore_mem>>) attributes {dimension_semantics = [#tpu.dimension_semantics<core_parallel>, #tpu.dimension_semantics<subcore_parallel>], iteration_bounds = array<i64: 2, 16>, scalar_prefetch = 0 : i64, scratch_operands = 9 : i64, tpu.core_type = #tpu.core_type<sc_vector_subcore>, window_params = [{transform_indices = #map}, {transform_indices = #map1}, {transform_indices = #map1}, {transform_indices = #map}, {transform_indices = #map}]} {
    %mul3A = arith.constant 2 : i32
    %mul3A_0 = arith.muli %arg1, %mul3A : i32
    %add3A = arith.addi %mul3A_0, %arg0 : i32
    %mul3A_1 = arith.constant 632 : i32
    %mul3A_2 = arith.muli %arg1, %mul3A_1 : i32
    "tpu.region"() ({
      %run_scoped3A = tpu.sem_alloc : memref<!tpu.dma_semaphore, #tpu.memory_space<semaphore_mem>>
      %dma_start3A_27 = arith.constant 0 : i32
      %dma_start3A_28 = tpu.memref_slice %arg13[%mul3A_2, %dma_start3A_27] : memref<10112x128xf32, #tpu.memory_space<vmem_shared>> -> memref<632x128xf32, #tpu.memory_space<vmem_shared>>
      tpu.enqueue_dma source(%arg5 : memref<632x128xf32, #tpu.memory_space<hbm>>) target(%dma_start3A_28 : memref<632x128xf32, #tpu.memory_space<vmem_shared>>) target_semaphore(%run_scoped3A : memref<!tpu.dma_semaphore, #tpu.memory_space<semaphore_mem>>)
      %dma_wait3A_29 = arith.constant 0 : i32
      %dma_wait3A_30 = tpu.memref_slice %arg13[%mul3A_2, %dma_wait3A_29] : memref<10112x128xf32, #tpu.memory_space<vmem_shared>> -> memref<632x128xf32, #tpu.memory_space<vmem_shared>>
      tpu.wait_dma2 semaphore(%run_scoped3A : memref<!tpu.dma_semaphore, #tpu.memory_space<semaphore_mem>>) src(%arg5 : memref<632x128xf32, #tpu.memory_space<hbm>>) dst(%dma_wait3A_30 : memref<632x128xf32, #tpu.memory_space<vmem_shared>>)
      tpu.yield
    }) : () -> ()
    %barrier3A = arith.constant 0 : index
    tpu.barrier barrier_id(%barrier3A)
    %mul3A_3 = arith.constant 79 : i32
    %mul3A_4 = arith.muli %add3A, %mul3A_3 : i32
    %min3A = arith.constant 0 : i32
    %min3A_5 = arith.constant 78 : i32
    %min3A_6 = arith.minsi %min3A, %min3A_5 : i32
    %add3A_7 = arith.addi %mul3A_4, %min3A_6 : i32
    %mul3A_8 = arith.constant 128 : i32
    %mul3A_9 = arith.muli %add3A_7, %mul3A_8 : i32
    "tpu.region"() ({
      %run_scoped3A = tpu.sem_alloc : memref<!tpu.dma_semaphore, #tpu.memory_space<semaphore_mem>>
      %dma_start3A_27 = tpu.memref_slice %arg3[%mul3A_9] : memref<323584xi32, #tpu.memory_space<hbm>> -> memref<128xi32, #tpu.memory_space<hbm>>
      %dma_start3A_28 = tpu.memref_slice %arg3[%mul3A_9] : memref<323584xi32, #tpu.memory_space<hbm>> -> memref<128xi32, #tpu.memory_space<hbm>>
      tpu.enqueue_dma source(%dma_start3A_28 : memref<128xi32, #tpu.memory_space<hbm>>) target(%arg7 : memref<128xi32, #tpu.memory_space<vmem>>) target_semaphore(%run_scoped3A : memref<!tpu.dma_semaphore, #tpu.memory_space<semaphore_mem>>)
      %dma_wait3A_29 = tpu.memref_slice %arg3[%mul3A_9] : memref<323584xi32, #tpu.memory_space<hbm>> -> memref<128xi32, #tpu.memory_space<hbm>>
      %dma_wait3A_30 = tpu.memref_slice %arg3[%mul3A_9] : memref<323584xi32, #tpu.memory_space<hbm>> -> memref<128xi32, #tpu.memory_space<hbm>>
      tpu.wait_dma2 semaphore(%run_scoped3A : memref<!tpu.dma_semaphore, #tpu.memory_space<semaphore_mem>>) src(%dma_wait3A_30 : memref<128xi32, #tpu.memory_space<hbm>>) dst(%arg7 : memref<128xi32, #tpu.memory_space<vmem>>)
      tpu.yield
    }) : () -> ()
    "tpu.region"() ({
      %run_scoped3A = tpu.sem_alloc : memref<!tpu.dma_semaphore, #tpu.memory_space<semaphore_mem>>
      %dma_start3A_27 = tpu.memref_slice %arg4[%mul3A_9] : memref<323584xi32, #tpu.memory_space<hbm>> -> memref<128xi32, #tpu.memory_space<hbm>>
      %dma_start3A_28 = tpu.memref_slice %arg4[%mul3A_9] : memref<323584xi32, #tpu.memory_space<hbm>> -> memref<128xi32, #tpu.memory_space<hbm>>
      tpu.enqueue_dma source(%dma_start3A_28 : memref<128xi32, #tpu.memory_space<hbm>>) target(%arg8 : memref<128xi32, #tpu.memory_space<vmem>>) target_semaphore(%run_scoped3A : memref<!tpu.dma_semaphore, #tpu.memory_space<semaphore_mem>>)
      %dma_wait3A_29 = tpu.memref_slice %arg4[%mul3A_9] : memref<323584xi32, #tpu.memory_space<hbm>> -> memref<128xi32, #tpu.memory_space<hbm>>
      %dma_wait3A_30 = tpu.memref_slice %arg4[%mul3A_9] : memref<323584xi32, #tpu.memory_space<hbm>> -> memref<128xi32, #tpu.memory_space<hbm>>
      tpu.wait_dma2 semaphore(%run_scoped3A : memref<!tpu.dma_semaphore, #tpu.memory_space<semaphore_mem>>) src(%dma_wait3A_30 : memref<128xi32, #tpu.memory_space<hbm>>) dst(%arg8 : memref<128xi32, #tpu.memory_space<vmem>>)
      tpu.yield
    }) : () -> ()
    %dma_start3A = arith.constant 0 : i32
    %dma_start3A_10 = arith.constant 0 : i32
    %dma_start3A_11 = tpu.memref_slice %arg2[%dma_start3A, %dma_start3A_10] : memref<10000x128xf32, #tpu.memory_space<hbm>> -> memref<10000x128xf32, #tpu.memory_space<hbm>>
    tpu.enqueue_indirect_dma source(%dma_start3A_11 : memref<10000x128xf32, #tpu.memory_space<hbm>>) target(%arg11 : memref<128x128xf32, #tpu.memory_space<vmem>>) offsets(%arg7 : memref<128xi32, #tpu.memory_space<vmem>>) semaphore(%arg14 : memref<!tpu.dma_semaphore, #tpu.memory_space<semaphore_mem>>)
    %scan3A = arith.constant 0 : i32
    %scan3A_12 = arith.constant 0 : i32
    %scan3A_13 = arith.constant 40 : i32
    %scan3A_14 = arith.addi %scan3A_12, %scan3A_13 : i32
    %scan3A_15 = arith.constant 1 : i32
    scf.for %scan3A_27 = %scan3A_12 to %scan3A_14 step %scan3A_15  : i32 {
      %mul3A_28 = arith.constant 2 : i32
      %mul3A_29 = arith.muli %mul3A_28, %scan3A_27 : i32
      %add3A_30 = arith.constant 1 : i32
      %add3A_31 = arith.addi %mul3A_29, %add3A_30 : i32
      %mul3A_32 = arith.constant 79 : i32
      %mul3A_33 = arith.muli %add3A, %mul3A_32 : i32
      %min3A_34 = arith.constant 78 : i32
      %min3A_35 = arith.minsi %add3A_31, %min3A_34 : i32
      %add3A_36 = arith.addi %mul3A_33, %min3A_35 : i32
      %mul3A_37 = arith.constant 128 : i32
      %mul3A_38 = arith.muli %add3A_36, %mul3A_37 : i32
      "tpu.region"() ({
        %run_scoped3A = tpu.sem_alloc : memref<!tpu.dma_semaphore, #tpu.memory_space<semaphore_mem>>
        %dma_start3A_64 = tpu.memref_slice %arg3[%mul3A_38] : memref<323584xi32, #tpu.memory_space<hbm>> -> memref<128xi32, #tpu.memory_space<hbm>>
        %dma_start3A_65 = tpu.memref_slice %arg3[%mul3A_38] : memref<323584xi32, #tpu.memory_space<hbm>> -> memref<128xi32, #tpu.memory_space<hbm>>
        tpu.enqueue_dma source(%dma_start3A_65 : memref<128xi32, #tpu.memory_space<hbm>>) target(%arg9 : memref<128xi32, #tpu.memory_space<vmem>>) target_semaphore(%run_scoped3A : memref<!tpu.dma_semaphore, #tpu.memory_space<semaphore_mem>>)
        %dma_wait3A_66 = tpu.memref_slice %arg3[%mul3A_38] : memref<323584xi32, #tpu.memory_space<hbm>> -> memref<128xi32, #tpu.memory_space<hbm>>
        %dma_wait3A_67 = tpu.memref_slice %arg3[%mul3A_38] : memref<323584xi32, #tpu.memory_space<hbm>> -> memref<128xi32, #tpu.memory_space<hbm>>
        tpu.wait_dma2 semaphore(%run_scoped3A : memref<!tpu.dma_semaphore, #tpu.memory_space<semaphore_mem>>) src(%dma_wait3A_67 : memref<128xi32, #tpu.memory_space<hbm>>) dst(%arg9 : memref<128xi32, #tpu.memory_space<vmem>>)
        tpu.yield
      }) : () -> ()
      "tpu.region"() ({
        %run_scoped3A = tpu.sem_alloc : memref<!tpu.dma_semaphore, #tpu.memory_space<semaphore_mem>>
        %dma_start3A_64 = tpu.memref_slice %arg4[%mul3A_38] : memref<323584xi32, #tpu.memory_space<hbm>> -> memref<128xi32, #tpu.memory_space<hbm>>
        %dma_start3A_65 = tpu.memref_slice %arg4[%mul3A_38] : memref<323584xi32, #tpu.memory_space<hbm>> -> memref<128xi32, #tpu.memory_space<hbm>>
        tpu.enqueue_dma source(%dma_start3A_65 : memref<128xi32, #tpu.memory_space<hbm>>) target(%arg10 : memref<128xi32, #tpu.memory_space<vmem>>) target_semaphore(%run_scoped3A : memref<!tpu.dma_semaphore, #tpu.memory_space<semaphore_mem>>)
        %dma_wait3A_66 = tpu.memref_slice %arg4[%mul3A_38] : memref<323584xi32, #tpu.memory_space<hbm>> -> memref<128xi32, #tpu.memory_space<hbm>>
        %dma_wait3A_67 = tpu.memref_slice %arg4[%mul3A_38] : memref<323584xi32, #tpu.memory_space<hbm>> -> memref<128xi32, #tpu.memory_space<hbm>>
        tpu.wait_dma2 semaphore(%run_scoped3A : memref<!tpu.dma_semaphore, #tpu.memory_space<semaphore_mem>>) src(%dma_wait3A_67 : memref<128xi32, #tpu.memory_space<hbm>>) dst(%arg10 : memref<128xi32, #tpu.memory_space<vmem>>)
        tpu.yield
      }) : () -> ()
      %dma_wait3A_39 = arith.constant 0 : i32
      %dma_wait3A_40 = arith.constant 0 : i32
      %dma_wait3A_41 = tpu.memref_slice %arg2[%dma_wait3A_39, %dma_wait3A_40] : memref<10000x128xf32, #tpu.memory_space<hbm>> -> memref<10000x128xf32, #tpu.memory_space<hbm>>
      tpu.wait_indirect_dma semaphore(%arg14 : memref<!tpu.dma_semaphore, #tpu.memory_space<semaphore_mem>>) src(%dma_wait3A_41 : memref<10000x128xf32, #tpu.memory_space<hbm>>) dst(%arg11 : memref<128x128xf32, #tpu.memory_space<vmem>>)
      %dma_start3A_42 = arith.constant 0 : i32
      %dma_start3A_43 = arith.constant 0 : i32
      %dma_start3A_44 = tpu.memref_slice %arg2[%dma_start3A_42, %dma_start3A_43] : memref<10000x128xf32, #tpu.memory_space<hbm>> -> memref<10000x128xf32, #tpu.memory_space<hbm>>
      tpu.enqueue_indirect_dma source(%dma_start3A_44 : memref<10000x128xf32, #tpu.memory_space<hbm>>) target(%arg12 : memref<128x128xf32, #tpu.memory_space<vmem>>) offsets(%arg9 : memref<128xi32, #tpu.memory_space<vmem>>) semaphore(%arg15 : memref<!tpu.dma_semaphore, #tpu.memory_space<semaphore_mem>>)
      "tpu.region"() ({
        %run_scoped3A = tpu.sem_alloc : memref<!tpu.dma_semaphore, #tpu.memory_space<semaphore_mem>>
        %dma_start3A_64 = arith.constant 0 : i32
        %dma_start3A_65 = arith.constant 0 : i32
        %dma_start3A_66 = tpu.memref_slice %arg13[%dma_start3A_64, %dma_start3A_65] : memref<10112x128xf32, #tpu.memory_space<vmem_shared>> -> memref<10112x128xf32, #tpu.memory_space<vmem_shared>>
        tpu.enqueue_indirect_dma source(%arg11 : memref<128x128xf32, #tpu.memory_space<vmem>>) target(%dma_start3A_66 : memref<10112x128xf32, #tpu.memory_space<vmem_shared>>) offsets(%arg8 : memref<128xi32, #tpu.memory_space<vmem>>) semaphore(%run_scoped3A : memref<!tpu.dma_semaphore, #tpu.memory_space<semaphore_mem>>) {add = true}
        %dma_wait3A_67 = arith.constant 0 : i32
        %dma_wait3A_68 = arith.constant 0 : i32
        %dma_wait3A_69 = tpu.memref_slice %arg13[%dma_wait3A_67, %dma_wait3A_68] : memref<10112x128xf32, #tpu.memory_space<vmem_shared>> -> memref<10112x128xf32, #tpu.memory_space<vmem_shared>>
        tpu.wait_indirect_dma semaphore(%run_scoped3A : memref<!tpu.dma_semaphore, #tpu.memory_space<semaphore_mem>>) src(%arg11 : memref<128x128xf32, #tpu.memory_space<vmem>>) dst(%dma_wait3A_69 : memref<10112x128xf32, #tpu.memory_space<vmem_shared>>)
        tpu.yield
      }) : () -> ()
      %add3A_45 = arith.constant 2 : i32
      %add3A_46 = arith.addi %mul3A_29, %add3A_45 : i32
      %mul3A_47 = arith.constant 79 : i32
      %mul3A_48 = arith.muli %add3A, %mul3A_47 : i32
      %min3A_49 = arith.constant 78 : i32
      %min3A_50 = arith.minsi %add3A_46, %min3A_49 : i32
      %add3A_51 = arith.addi %mul3A_48, %min3A_50 : i32
      %mul3A_52 = arith.constant 128 : i32
      %mul3A_53 = arith.muli %add3A_51, %mul3A_52 : i32
      "tpu.region"() ({
        %run_scoped3A = tpu.sem_alloc : memref<!tpu.dma_semaphore, #tpu.memory_space<semaphore_mem>>
        %dma_start3A_64 = tpu.memref_slice %arg3[%mul3A_53] : memref<323584xi32, #tpu.memory_space<hbm>> -> memref<128xi32, #tpu.memory_space<hbm>>
        %dma_start3A_65 = tpu.memref_slice %arg3[%mul3A_53] : memref<323584xi32, #tpu.memory_space<hbm>> -> memref<128xi32, #tpu.memory_space<hbm>>
        tpu.enqueue_dma source(%dma_start3A_65 : memref<128xi32, #tpu.memory_space<hbm>>) target(%arg7 : memref<128xi32, #tpu.memory_space<vmem>>) target_semaphore(%run_scoped3A : memref<!tpu.dma_semaphore, #tpu.memory_space<semaphore_mem>>)
        %dma_wait3A_66 = tpu.memref_slice %arg3[%mul3A_53] : memref<323584xi32, #tpu.memory_space<hbm>> -> memref<128xi32, #tpu.memory_space<hbm>>
        %dma_wait3A_67 = tpu.memref_slice %arg3[%mul3A_53] : memref<323584xi32, #tpu.memory_space<hbm>> -> memref<128xi32, #tpu.memory_space<hbm>>
        tpu.wait_dma2 semaphore(%run_scoped3A : memref<!tpu.dma_semaphore, #tpu.memory_space<semaphore_mem>>) src(%dma_wait3A_67 : memref<128xi32, #tpu.memory_space<hbm>>) dst(%arg7 : memref<128xi32, #tpu.memory_space<vmem>>)
        tpu.yield
      }) : () -> ()
      "tpu.region"() ({
        %run_scoped3A = tpu.sem_alloc : memref<!tpu.dma_semaphore, #tpu.memory_space<semaphore_mem>>
        %dma_start3A_64 = tpu.memref_slice %arg4[%mul3A_53] : memref<323584xi32, #tpu.memory_space<hbm>> -> memref<128xi32, #tpu.memory_space<hbm>>
        %dma_start3A_65 = tpu.memref_slice %arg4[%mul3A_53] : memref<323584xi32, #tpu.memory_space<hbm>> -> memref<128xi32, #tpu.memory_space<hbm>>
        tpu.enqueue_dma source(%dma_start3A_65 : memref<128xi32, #tpu.memory_space<hbm>>) target(%arg8 : memref<128xi32, #tpu.memory_space<vmem>>) target_semaphore(%run_scoped3A : memref<!tpu.dma_semaphore, #tpu.memory_space<semaphore_mem>>)
        %dma_wait3A_66 = tpu.memref_slice %arg4[%mul3A_53] : memref<323584xi32, #tpu.memory_space<hbm>> -> memref<128xi32, #tpu.memory_space<hbm>>
        %dma_wait3A_67 = tpu.memref_slice %arg4[%mul3A_53] : memref<323584xi32, #tpu.memory_space<hbm>> -> memref<128xi32, #tpu.memory_space<hbm>>
        tpu.wait_dma2 semaphore(%run_scoped3A : memref<!tpu.dma_semaphore, #tpu.memory_space<semaphore_mem>>) src(%dma_wait3A_67 : memref<128xi32, #tpu.memory_space<hbm>>) dst(%arg8 : memref<128xi32, #tpu.memory_space<vmem>>)
        tpu.yield
      }) : () -> ()
      %dma_wait3A_54 = arith.constant 0 : i32
      %dma_wait3A_55 = arith.constant 0 : i32
      %dma_wait3A_56 = tpu.memref_slice %arg2[%dma_wait3A_54, %dma_wait3A_55] : memref<10000x128xf32, #tpu.memory_space<hbm>> -> memref<10000x128xf32, #tpu.memory_space<hbm>>
      tpu.wait_indirect_dma semaphore(%arg15 : memref<!tpu.dma_semaphore, #tpu.memory_space<semaphore_mem>>) src(%dma_wait3A_56 : memref<10000x128xf32, #tpu.memory_space<hbm>>) dst(%arg12 : memref<128x128xf32, #tpu.memory_space<vmem>>)
      %dma_start3A_57 = arith.constant 0 : i32
      %dma_start3A_58 = arith.constant 0 : i32
      %dma_start3A_59 = tpu.memref_slice %arg2[%dma_start3A_57, %dma_start3A_58] : memref<10000x128xf32, #tpu.memory_space<hbm>> -> memref<10000x128xf32, #tpu.memory_space<hbm>>
      tpu.enqueue_indirect_dma source(%dma_start3A_59 : memref<10000x128xf32, #tpu.memory_space<hbm>>) target(%arg11 : memref<128x128xf32, #tpu.memory_space<vmem>>) offsets(%arg7 : memref<128xi32, #tpu.memory_space<vmem>>) semaphore(%arg14 : memref<!tpu.dma_semaphore, #tpu.memory_space<semaphore_mem>>)
      %add3A_60 = arith.constant 1 : i32
      %add3A_61 = arith.addi %mul3A_29, %add3A_60 : i32
      %le3A = arith.constant 78 : i32
      %le3A_62 = arith.cmpi sle, %add3A_61, %le3A : i32
      %convert_element_type3A = arith.extui %le3A_62 : i1 to i32
      %cond3A = arith.constant 0 : i32
      %cond3A_63 = arith.cmpi ne, %convert_element_type3A, %cond3A : i32
      scf.if %cond3A_63 {
        "tpu.region"() ({
          %run_scoped3A = tpu.sem_alloc : memref<!tpu.dma_semaphore, #tpu.memory_space<semaphore_mem>>
          %dma_start3A_64 = arith.constant 0 : i32
          %dma_start3A_65 = arith.constant 0 : i32
          %dma_start3A_66 = tpu.memref_slice %arg13[%dma_start3A_64, %dma_start3A_65] : memref<10112x128xf32, #tpu.memory_space<vmem_shared>> -> memref<10112x128xf32, #tpu.memory_space<vmem_shared>>
          tpu.enqueue_indirect_dma source(%arg12 : memref<128x128xf32, #tpu.memory_space<vmem>>) target(%dma_start3A_66 : memref<10112x128xf32, #tpu.memory_space<vmem_shared>>) offsets(%arg10 : memref<128xi32, #tpu.memory_space<vmem>>) semaphore(%run_scoped3A : memref<!tpu.dma_semaphore, #tpu.memory_space<semaphore_mem>>) {add = true}
          %dma_wait3A_67 = arith.constant 0 : i32
          %dma_wait3A_68 = arith.constant 0 : i32
          %dma_wait3A_69 = tpu.memref_slice %arg13[%dma_wait3A_67, %dma_wait3A_68] : memref<10112x128xf32, #tpu.memory_space<vmem_shared>> -> memref<10112x128xf32, #tpu.memory_space<vmem_shared>>
          tpu.wait_indirect_dma semaphore(%run_scoped3A : memref<!tpu.dma_semaphore, #tpu.memory_space<semaphore_mem>>) src(%arg12 : memref<128x128xf32, #tpu.memory_space<vmem>>) dst(%dma_wait3A_69 : memref<10112x128xf32, #tpu.memory_space<vmem_shared>>)
          tpu.yield
        }) : () -> ()
      } else {
      }
    }
    %scan3A_16 = arith.constant 40 : i32
    %dma_wait3A = arith.constant 0 : i32
    %dma_wait3A_17 = arith.constant 0 : i32
    %dma_wait3A_18 = tpu.memref_slice %arg2[%dma_wait3A, %dma_wait3A_17] : memref<10000x128xf32, #tpu.memory_space<hbm>> -> memref<10000x128xf32, #tpu.memory_space<hbm>>
    tpu.wait_indirect_dma semaphore(%arg14 : memref<!tpu.dma_semaphore, #tpu.memory_space<semaphore_mem>>) src(%dma_wait3A_18 : memref<10000x128xf32, #tpu.memory_space<hbm>>) dst(%arg11 : memref<128x128xf32, #tpu.memory_space<vmem>>)
    %barrier3A_19 = arith.constant 0 : index
    tpu.barrier barrier_id(%barrier3A_19)
    %mul3A_20 = arith.constant 632 : i32
    %mul3A_21 = arith.muli %arg1, %mul3A_20 : i32
    %mul3A_22 = arith.constant 10112 : i32
    %mul3A_23 = arith.muli %arg0, %mul3A_22 : i32
    %mul3A_24 = arith.constant 632 : i32
    %mul3A_25 = arith.muli %arg1, %mul3A_24 : i32
    %add3A_26 = arith.addi %mul3A_23, %mul3A_25 : i32
    "tpu.region"() ({
      %run_scoped3A = tpu.sem_alloc : memref<!tpu.dma_semaphore, #tpu.memory_space<semaphore_mem>>
      %dma_start3A_27 = arith.constant 0 : i32
      %dma_start3A_28 = tpu.memref_slice %arg6[%add3A_26, %dma_start3A_27] : memref<20224x128xf32, #tpu.memory_space<hbm>> -> memref<632x128xf32, #tpu.memory_space<hbm>>
      %dma_start3A_29 = arith.constant 0 : i32
      %dma_start3A_30 = tpu.memref_slice %arg13[%mul3A_21, %dma_start3A_29] : memref<10112x128xf32, #tpu.memory_space<vmem_shared>> -> memref<632x128xf32, #tpu.memory_space<vmem_shared>>
      tpu.enqueue_dma source(%dma_start3A_30 : memref<632x128xf32, #tpu.memory_space<vmem_shared>>) target(%dma_start3A_28 : memref<632x128xf32, #tpu.memory_space<hbm>>) target_semaphore(%run_scoped3A : memref<!tpu.dma_semaphore, #tpu.memory_space<semaphore_mem>>)
      %dma_wait3A_31 = arith.constant 0 : i32
      %dma_wait3A_32 = tpu.memref_slice %arg6[%add3A_26, %dma_wait3A_31] : memref<20224x128xf32, #tpu.memory_space<hbm>> -> memref<632x128xf32, #tpu.memory_space<hbm>>
      %dma_wait3A_33 = arith.constant 0 : i32
      %dma_wait3A_34 = tpu.memref_slice %arg13[%mul3A_21, %dma_wait3A_33] : memref<10112x128xf32, #tpu.memory_space<vmem_shared>> -> memref<632x128xf32, #tpu.memory_space<vmem_shared>>
      tpu.wait_dma2 semaphore(%run_scoped3A : memref<!tpu.dma_semaphore, #tpu.memory_space<semaphore_mem>>) src(%dma_wait3A_34 : memref<632x128xf32, #tpu.memory_space<vmem_shared>>) dst(%dma_wait3A_32 : memref<632x128xf32, #tpu.memory_space<hbm>>)
      tpu.yield
    }) : () -> ()
    return
  }
}

#map = affine_map<(d0, d1) -> (0, 0)>
#map1 = affine_map<(d0, d1) -> (0)>
module attributes {stable_mosaic.version = 14 : i64} {
  func.func @k_fn(%arg0: i32, %arg1: i32, %arg2: memref<10000x128xf32, #tpu.memory_space<hbm>>, %arg3: memref<323584xi32, #tpu.memory_space<hbm>>, %arg4: memref<323584xi32, #tpu.memory_space<hbm>>, %arg5: memref<632x128xf32, #tpu.memory_space<hbm>>, %arg6: memref<20224x128xf32, #tpu.memory_space<hbm>>, %arg7: memref<128xi32, #tpu.memory_space<vmem>>, %arg8: memref<128xi32, #tpu.memory_space<vmem>>, %arg9: memref<128xi32, #tpu.memory_space<vmem>>, %arg10: memref<128xi32, #tpu.memory_space<vmem>>, %arg11: memref<128x128xf32, #tpu.memory_space<vmem>>, %arg12: memref<128x128xf32, #tpu.memory_space<vmem>>, %arg13: memref<10112x128xf32, #tpu.memory_space<vmem_shared>>, %arg14: memref<!tpu.dma_semaphore, #tpu.memory_space<semaphore_mem>>, %arg15: memref<!tpu.dma_semaphore, #tpu.memory_space<semaphore_mem>>) attributes {dimension_semantics = [#tpu.dimension_semantics<core_parallel>, #tpu.dimension_semantics<subcore_parallel>], iteration_bounds = array<i64: 2, 16>, scalar_prefetch = 0 : i64, scratch_operands = 9 : i64, tpu.core_type = #tpu.core_type<sc_vector_subcore>, window_params = [{transform_indices = #map}, {transform_indices = #map1}, {transform_indices = #map1}, {transform_indices = #map}, {transform_indices = #map}]} {
    %mul3A = arith.constant 2 : i32
    %mul3A_0 = arith.muli %arg1, %mul3A : i32
    %add3A = arith.addi %mul3A_0, %arg0 : i32
    %mul3A_1 = arith.constant 632 : i32
    %mul3A_2 = arith.muli %arg1, %mul3A_1 : i32
    "tpu.region"() ({
      %run_scoped3A = tpu.sem_alloc : memref<!tpu.dma_semaphore, #tpu.memory_space<semaphore_mem>>
      %dma_start3A_27 = arith.constant 0 : i32
      %dma_start3A_28 = tpu.memref_slice %arg13[%mul3A_2, %dma_start3A_27] : memref<10112x128xf32, #tpu.memory_space<vmem_shared>> -> memref<632x128xf32, #tpu.memory_space<vmem_shared>>
      tpu.enqueue_dma source(%arg5 : memref<632x128xf32, #tpu.memory_space<hbm>>) target(%dma_start3A_28 : memref<632x128xf32, #tpu.memory_space<vmem_shared>>) target_semaphore(%run_scoped3A : memref<!tpu.dma_semaphore, #tpu.memory_space<semaphore_mem>>)
      %dma_wait3A_29 = arith.constant 0 : i32
      %dma_wait3A_30 = tpu.memref_slice %arg13[%mul3A_2, %dma_wait3A_29] : memref<10112x128xf32, #tpu.memory_space<vmem_shared>> -> memref<632x128xf32, #tpu.memory_space<vmem_shared>>
      tpu.wait_dma2 semaphore(%run_scoped3A : memref<!tpu.dma_semaphore, #tpu.memory_space<semaphore_mem>>) src(%arg5 : memref<632x128xf32, #tpu.memory_space<hbm>>) dst(%dma_wait3A_30 : memref<632x128xf32, #tpu.memory_space<vmem_shared>>)
      tpu.yield
    }) : () -> ()
    %barrier3A = arith.constant 0 : index
    tpu.barrier barrier_id(%barrier3A)
    %mul3A_3 = arith.constant 79 : i32
    %mul3A_4 = arith.muli %add3A, %mul3A_3 : i32
    %min3A = arith.constant 0 : i32
    %min3A_5 = arith.constant 78 : i32
    %min3A_6 = arith.minsi %min3A, %min3A_5 : i32
    %add3A_7 = arith.addi %mul3A_4, %min3A_6 : i32
    %mul3A_8 = arith.constant 128 : i32
    %mul3A_9 = arith.muli %add3A_7, %mul3A_8 : i32
    "tpu.region"() ({
      %run_scoped3A = tpu.sem_alloc : memref<!tpu.dma_semaphore, #tpu.memory_space<semaphore_mem>>
      %dma_start3A_27 = tpu.memref_slice %arg3[%mul3A_9] : memref<323584xi32, #tpu.memory_space<hbm>> -> memref<128xi32, #tpu.memory_space<hbm>>
      %dma_start3A_28 = tpu.memref_slice %arg3[%mul3A_9] : memref<323584xi32, #tpu.memory_space<hbm>> -> memref<128xi32, #tpu.memory_space<hbm>>
      tpu.enqueue_dma source(%dma_start3A_28 : memref<128xi32, #tpu.memory_space<hbm>>) target(%arg7 : memref<128xi32, #tpu.memory_space<vmem>>) target_semaphore(%run_scoped3A : memref<!tpu.dma_semaphore, #tpu.memory_space<semaphore_mem>>)
      %dma_wait3A_29 = tpu.memref_slice %arg3[%mul3A_9] : memref<323584xi32, #tpu.memory_space<hbm>> -> memref<128xi32, #tpu.memory_space<hbm>>
      %dma_wait3A_30 = tpu.memref_slice %arg3[%mul3A_9] : memref<323584xi32, #tpu.memory_space<hbm>> -> memref<128xi32, #tpu.memory_space<hbm>>
      tpu.wait_dma2 semaphore(%run_scoped3A : memref<!tpu.dma_semaphore, #tpu.memory_space<semaphore_mem>>) src(%dma_wait3A_30 : memref<128xi32, #tpu.memory_space<hbm>>) dst(%arg7 : memref<128xi32, #tpu.memory_space<vmem>>)
      tpu.yield
    }) : () -> ()
    "tpu.region"() ({
      %run_scoped3A = tpu.sem_alloc : memref<!tpu.dma_semaphore, #tpu.memory_space<semaphore_mem>>
      %dma_start3A_27 = tpu.memref_slice %arg4[%mul3A_9] : memref<323584xi32, #tpu.memory_space<hbm>> -> memref<128xi32, #tpu.memory_space<hbm>>
      %dma_start3A_28 = tpu.memref_slice %arg4[%mul3A_9] : memref<323584xi32, #tpu.memory_space<hbm>> -> memref<128xi32, #tpu.memory_space<hbm>>
      tpu.enqueue_dma source(%dma_start3A_28 : memref<128xi32, #tpu.memory_space<hbm>>) target(%arg8 : memref<128xi32, #tpu.memory_space<vmem>>) target_semaphore(%run_scoped3A : memref<!tpu.dma_semaphore, #tpu.memory_space<semaphore_mem>>)
      %dma_wait3A_29 = tpu.memref_slice %arg4[%mul3A_9] : memref<323584xi32, #tpu.memory_space<hbm>> -> memref<128xi32, #tpu.memory_space<hbm>>
      %dma_wait3A_30 = tpu.memref_slice %arg4[%mul3A_9] : memref<323584xi32, #tpu.memory_space<hbm>> -> memref<128xi32, #tpu.memory_space<hbm>>
      tpu.wait_dma2 semaphore(%run_scoped3A : memref<!tpu.dma_semaphore, #tpu.memory_space<semaphore_mem>>) src(%dma_wait3A_30 : memref<128xi32, #tpu.memory_space<hbm>>) dst(%arg8 : memref<128xi32, #tpu.memory_space<vmem>>)
      tpu.yield
    }) : () -> ()
    %dma_start3A = arith.constant 0 : i32
    %dma_start3A_10 = arith.constant 0 : i32
    %dma_start3A_11 = tpu.memref_slice %arg2[%dma_start3A, %dma_start3A_10] : memref<10000x128xf32, #tpu.memory_space<hbm>> -> memref<10000x128xf32, #tpu.memory_space<hbm>>
    tpu.enqueue_indirect_dma source(%dma_start3A_11 : memref<10000x128xf32, #tpu.memory_space<hbm>>) target(%arg11 : memref<128x128xf32, #tpu.memory_space<vmem>>) offsets(%arg7 : memref<128xi32, #tpu.memory_space<vmem>>) semaphore(%arg14 : memref<!tpu.dma_semaphore, #tpu.memory_space<semaphore_mem>>)
    %scan3A = arith.constant 0 : i32
    %scan3A_12 = arith.constant 0 : i32
    %scan3A_13 = arith.constant 40 : i32
    %scan3A_14 = arith.addi %scan3A_12, %scan3A_13 : i32
    %scan3A_15 = arith.constant 1 : i32
    scf.for %scan3A_27 = %scan3A_12 to %scan3A_14 step %scan3A_15  : i32 {
      %mul3A_28 = arith.constant 2 : i32
      %mul3A_29 = arith.muli %mul3A_28, %scan3A_27 : i32
      %add3A_30 = arith.constant 1 : i32
      %add3A_31 = arith.addi %mul3A_29, %add3A_30 : i32
      %mul3A_32 = arith.constant 79 : i32
      %mul3A_33 = arith.muli %add3A, %mul3A_32 : i32
      %min3A_34 = arith.constant 78 : i32
      %min3A_35 = arith.minsi %add3A_31, %min3A_34 : i32
      %add3A_36 = arith.addi %mul3A_33, %min3A_35 : i32
      %mul3A_37 = arith.constant 128 : i32
      %mul3A_38 = arith.muli %add3A_36, %mul3A_37 : i32
      "tpu.region"() ({
        %run_scoped3A = tpu.sem_alloc : memref<!tpu.dma_semaphore, #tpu.memory_space<semaphore_mem>>
        %dma_start3A_64 = tpu.memref_slice %arg3[%mul3A_38] : memref<323584xi32, #tpu.memory_space<hbm>> -> memref<128xi32, #tpu.memory_space<hbm>>
        %dma_start3A_65 = tpu.memref_slice %arg3[%mul3A_38] : memref<323584xi32, #tpu.memory_space<hbm>> -> memref<128xi32, #tpu.memory_space<hbm>>
        tpu.enqueue_dma source(%dma_start3A_65 : memref<128xi32, #tpu.memory_space<hbm>>) target(%arg9 : memref<128xi32, #tpu.memory_space<vmem>>) target_semaphore(%run_scoped3A : memref<!tpu.dma_semaphore, #tpu.memory_space<semaphore_mem>>)
        %dma_wait3A_66 = tpu.memref_slice %arg3[%mul3A_38] : memref<323584xi32, #tpu.memory_space<hbm>> -> memref<128xi32, #tpu.memory_space<hbm>>
        %dma_wait3A_67 = tpu.memref_slice %arg3[%mul3A_38] : memref<323584xi32, #tpu.memory_space<hbm>> -> memref<128xi32, #tpu.memory_space<hbm>>
        tpu.wait_dma2 semaphore(%run_scoped3A : memref<!tpu.dma_semaphore, #tpu.memory_space<semaphore_mem>>) src(%dma_wait3A_67 : memref<128xi32, #tpu.memory_space<hbm>>) dst(%arg9 : memref<128xi32, #tpu.memory_space<vmem>>)
        tpu.yield
      }) : () -> ()
      "tpu.region"() ({
        %run_scoped3A = tpu.sem_alloc : memref<!tpu.dma_semaphore, #tpu.memory_space<semaphore_mem>>
        %dma_start3A_64 = tpu.memref_slice %arg4[%mul3A_38] : memref<323584xi32, #tpu.memory_space<hbm>> -> memref<128xi32, #tpu.memory_space<hbm>>
        %dma_start3A_65 = tpu.memref_slice %arg4[%mul3A_38] : memref<323584xi32, #tpu.memory_space<hbm>> -> memref<128xi32, #tpu.memory_space<hbm>>
        tpu.enqueue_dma source(%dma_start3A_65 : memref<128xi32, #tpu.memory_space<hbm>>) target(%arg10 : memref<128xi32, #tpu.memory_space<vmem>>) target_semaphore(%run_scoped3A : memref<!tpu.dma_semaphore, #tpu.memory_space<semaphore_mem>>)
        %dma_wait3A_66 = tpu.memref_slice %arg4[%mul3A_38] : memref<323584xi32, #tpu.memory_space<hbm>> -> memref<128xi32, #tpu.memory_space<hbm>>
        %dma_wait3A_67 = tpu.memref_slice %arg4[%mul3A_38] : memref<323584xi32, #tpu.memory_space<hbm>> -> memref<128xi32, #tpu.memory_space<hbm>>
        tpu.wait_dma2 semaphore(%run_scoped3A : memref<!tpu.dma_semaphore, #tpu.memory_space<semaphore_mem>>) src(%dma_wait3A_67 : memref<128xi32, #tpu.memory_space<hbm>>) dst(%arg10 : memref<128xi32, #tpu.memory_space<vmem>>)
        tpu.yield
      }) : () -> ()
      %dma_wait3A_39 = arith.constant 0 : i32
      %dma_wait3A_40 = arith.constant 0 : i32
      %dma_wait3A_41 = tpu.memref_slice %arg2[%dma_wait3A_39, %dma_wait3A_40] : memref<10000x128xf32, #tpu.memory_space<hbm>> -> memref<10000x128xf32, #tpu.memory_space<hbm>>
      tpu.wait_indirect_dma semaphore(%arg14 : memref<!tpu.dma_semaphore, #tpu.memory_space<semaphore_mem>>) src(%dma_wait3A_41 : memref<10000x128xf32, #tpu.memory_space<hbm>>) dst(%arg11 : memref<128x128xf32, #tpu.memory_space<vmem>>)
      %dma_start3A_42 = arith.constant 0 : i32
      %dma_start3A_43 = arith.constant 0 : i32
      %dma_start3A_44 = tpu.memref_slice %arg2[%dma_start3A_42, %dma_start3A_43] : memref<10000x128xf32, #tpu.memory_space<hbm>> -> memref<10000x128xf32, #tpu.memory_space<hbm>>
      tpu.enqueue_indirect_dma source(%dma_start3A_44 : memref<10000x128xf32, #tpu.memory_space<hbm>>) target(%arg12 : memref<128x128xf32, #tpu.memory_space<vmem>>) offsets(%arg9 : memref<128xi32, #tpu.memory_space<vmem>>) semaphore(%arg15 : memref<!tpu.dma_semaphore, #tpu.memory_space<semaphore_mem>>)
      "tpu.region"() ({
        %run_scoped3A = tpu.sem_alloc : memref<!tpu.dma_semaphore, #tpu.memory_space<semaphore_mem>>
        %dma_start3A_64 = arith.constant 0 : i32
        %dma_start3A_65 = arith.constant 0 : i32
        %dma_start3A_66 = tpu.memref_slice %arg13[%dma_start3A_64, %dma_start3A_65] : memref<10112x128xf32, #tpu.memory_space<vmem_shared>> -> memref<10112x128xf32, #tpu.memory_space<vmem_shared>>
        tpu.enqueue_indirect_dma source(%arg11 : memref<128x128xf32, #tpu.memory_space<vmem>>) target(%dma_start3A_66 : memref<10112x128xf32, #tpu.memory_space<vmem_shared>>) offsets(%arg8 : memref<128xi32, #tpu.memory_space<vmem>>) semaphore(%run_scoped3A : memref<!tpu.dma_semaphore, #tpu.memory_space<semaphore_mem>>) {add = true}
        %dma_wait3A_67 = arith.constant 0 : i32
        %dma_wait3A_68 = arith.constant 0 : i32
        %dma_wait3A_69 = tpu.memref_slice %arg13[%dma_wait3A_67, %dma_wait3A_68] : memref<10112x128xf32, #tpu.memory_space<vmem_shared>> -> memref<10112x128xf32, #tpu.memory_space<vmem_shared>>
        tpu.wait_indirect_dma semaphore(%run_scoped3A : memref<!tpu.dma_semaphore, #tpu.memory_space<semaphore_mem>>) src(%arg11 : memref<128x128xf32, #tpu.memory_space<vmem>>) dst(%dma_wait3A_69 : memref<10112x128xf32, #tpu.memory_space<vmem_shared>>)
        tpu.yield
      }) : () -> ()
      %add3A_45 = arith.constant 2 : i32
      %add3A_46 = arith.addi %mul3A_29, %add3A_45 : i32
      %mul3A_47 = arith.constant 79 : i32
      %mul3A_48 = arith.muli %add3A, %mul3A_47 : i32
      %min3A_49 = arith.constant 78 : i32
      %min3A_50 = arith.minsi %add3A_46, %min3A_49 : i32
      %add3A_51 = arith.addi %mul3A_48, %min3A_50 : i32
      %mul3A_52 = arith.constant 128 : i32
      %mul3A_53 = arith.muli %add3A_51, %mul3A_52 : i32
      "tpu.region"() ({
        %run_scoped3A = tpu.sem_alloc : memref<!tpu.dma_semaphore, #tpu.memory_space<semaphore_mem>>
        %dma_start3A_64 = tpu.memref_slice %arg3[%mul3A_53] : memref<323584xi32, #tpu.memory_space<hbm>> -> memref<128xi32, #tpu.memory_space<hbm>>
        %dma_start3A_65 = tpu.memref_slice %arg3[%mul3A_53] : memref<323584xi32, #tpu.memory_space<hbm>> -> memref<128xi32, #tpu.memory_space<hbm>>
        tpu.enqueue_dma source(%dma_start3A_65 : memref<128xi32, #tpu.memory_space<hbm>>) target(%arg7 : memref<128xi32, #tpu.memory_space<vmem>>) target_semaphore(%run_scoped3A : memref<!tpu.dma_semaphore, #tpu.memory_space<semaphore_mem>>)
        %dma_wait3A_66 = tpu.memref_slice %arg3[%mul3A_53] : memref<323584xi32, #tpu.memory_space<hbm>> -> memref<128xi32, #tpu.memory_space<hbm>>
        %dma_wait3A_67 = tpu.memref_slice %arg3[%mul3A_53] : memref<323584xi32, #tpu.memory_space<hbm>> -> memref<128xi32, #tpu.memory_space<hbm>>
        tpu.wait_dma2 semaphore(%run_scoped3A : memref<!tpu.dma_semaphore, #tpu.memory_space<semaphore_mem>>) src(%dma_wait3A_67 : memref<128xi32, #tpu.memory_space<hbm>>) dst(%arg7 : memref<128xi32, #tpu.memory_space<vmem>>)
        tpu.yield
      }) : () -> ()
      "tpu.region"() ({
        %run_scoped3A = tpu.sem_alloc : memref<!tpu.dma_semaphore, #tpu.memory_space<semaphore_mem>>
        %dma_start3A_64 = tpu.memref_slice %arg4[%mul3A_53] : memref<323584xi32, #tpu.memory_space<hbm>> -> memref<128xi32, #tpu.memory_space<hbm>>
        %dma_start3A_65 = tpu.memref_slice %arg4[%mul3A_53] : memref<323584xi32, #tpu.memory_space<hbm>> -> memref<128xi32, #tpu.memory_space<hbm>>
        tpu.enqueue_dma source(%dma_start3A_65 : memref<128xi32, #tpu.memory_space<hbm>>) target(%arg8 : memref<128xi32, #tpu.memory_space<vmem>>) target_semaphore(%run_scoped3A : memref<!tpu.dma_semaphore, #tpu.memory_space<semaphore_mem>>)
        %dma_wait3A_66 = tpu.memref_slice %arg4[%mul3A_53] : memref<323584xi32, #tpu.memory_space<hbm>> -> memref<128xi32, #tpu.memory_space<hbm>>
        %dma_wait3A_67 = tpu.memref_slice %arg4[%mul3A_53] : memref<323584xi32, #tpu.memory_space<hbm>> -> memref<128xi32, #tpu.memory_space<hbm>>
        tpu.wait_dma2 semaphore(%run_scoped3A : memref<!tpu.dma_semaphore, #tpu.memory_space<semaphore_mem>>) src(%dma_wait3A_67 : memref<128xi32, #tpu.memory_space<hbm>>) dst(%arg8 : memref<128xi32, #tpu.memory_space<vmem>>)
        tpu.yield
      }) : () -> ()
      %dma_wait3A_54 = arith.constant 0 : i32
      %dma_wait3A_55 = arith.constant 0 : i32
      %dma_wait3A_56 = tpu.memref_slice %arg2[%dma_wait3A_54, %dma_wait3A_55] : memref<10000x128xf32, #tpu.memory_space<hbm>> -> memref<10000x128xf32, #tpu.memory_space<hbm>>
      tpu.wait_indirect_dma semaphore(%arg15 : memref<!tpu.dma_semaphore, #tpu.memory_space<semaphore_mem>>) src(%dma_wait3A_56 : memref<10000x128xf32, #tpu.memory_space<hbm>>) dst(%arg12 : memref<128x128xf32, #tpu.memory_space<vmem>>)
      %dma_start3A_57 = arith.constant 0 : i32
      %dma_start3A_58 = arith.constant 0 : i32
      %dma_start3A_59 = tpu.memref_slice %arg2[%dma_start3A_57, %dma_start3A_58] : memref<10000x128xf32, #tpu.memory_space<hbm>> -> memref<10000x128xf32, #tpu.memory_space<hbm>>
      tpu.enqueue_indirect_dma source(%dma_start3A_59 : memref<10000x128xf32, #tpu.memory_space<hbm>>) target(%arg11 : memref<128x128xf32, #tpu.memory_space<vmem>>) offsets(%arg7 : memref<128xi32, #tpu.memory_space<vmem>>) semaphore(%arg14 : memref<!tpu.dma_semaphore, #tpu.memory_space<semaphore_mem>>)
      %add3A_60 = arith.constant 1 : i32
      %add3A_61 = arith.addi %mul3A_29, %add3A_60 : i32
      %le3A = arith.constant 78 : i32
      %le3A_62 = arith.cmpi sle, %add3A_61, %le3A : i32
      %convert_element_type3A = arith.extui %le3A_62 : i1 to i32
      %cond3A = arith.constant 0 : i32
      %cond3A_63 = arith.cmpi ne, %convert_element_type3A, %cond3A : i32
      scf.if %cond3A_63 {
        "tpu.region"() ({
          %run_scoped3A = tpu.sem_alloc : memref<!tpu.dma_semaphore, #tpu.memory_space<semaphore_mem>>
          %dma_start3A_64 = arith.constant 0 : i32
          %dma_start3A_65 = arith.constant 0 : i32
          %dma_start3A_66 = tpu.memref_slice %arg13[%dma_start3A_64, %dma_start3A_65] : memref<10112x128xf32, #tpu.memory_space<vmem_shared>> -> memref<10112x128xf32, #tpu.memory_space<vmem_shared>>
          tpu.enqueue_indirect_dma source(%arg12 : memref<128x128xf32, #tpu.memory_space<vmem>>) target(%dma_start3A_66 : memref<10112x128xf32, #tpu.memory_space<vmem_shared>>) offsets(%arg10 : memref<128xi32, #tpu.memory_space<vmem>>) semaphore(%run_scoped3A : memref<!tpu.dma_semaphore, #tpu.memory_space<semaphore_mem>>) {add = true}
          %dma_wait3A_67 = arith.constant 0 : i32
          %dma_wait3A_68 = arith.constant 0 : i32
          %dma_wait3A_69 = tpu.memref_slice %arg13[%dma_wait3A_67, %dma_wait3A_68] : memref<10112x128xf32, #tpu.memory_space<vmem_shared>> -> memref<10112x128xf32, #tpu.memory_space<vmem_shared>>
          tpu.wait_indirect_dma semaphore(%run_scoped3A : memref<!tpu.dma_semaphore, #tpu.memory_space<semaphore_mem>>) src(%arg12 : memref<128x128xf32, #tpu.memory_space<vmem>>) dst(%dma_wait3A_69 : memref<10112x128xf32, #tpu.memory_space<vmem_shared>>)
          tpu.yield
        }) : () -> ()
      } else {
      }
    }
    %scan3A_16 = arith.constant 40 : i32
    %dma_wait3A = arith.constant 0 : i32
    %dma_wait3A_17 = arith.constant 0 : i32
    %dma_wait3A_18 = tpu.memref_slice %arg2[%dma_wait3A, %dma_wait3A_17] : memref<10000x128xf32, #tpu.memory_space<hbm>> -> memref<10000x128xf32, #tpu.memory_space<hbm>>
    tpu.wait_indirect_dma semaphore(%arg14 : memref<!tpu.dma_semaphore, #tpu.memory_space<semaphore_mem>>) src(%dma_wait3A_18 : memref<10000x128xf32, #tpu.memory_space<hbm>>) dst(%arg11 : memref<128x128xf32, #tpu.memory_space<vmem>>)
    %barrier3A_19 = arith.constant 0 : index
    tpu.barrier barrier_id(%barrier3A_19)
    %mul3A_20 = arith.constant 632 : i32
    %mul3A_21 = arith.muli %arg1, %mul3A_20 : i32
    %mul3A_22 = arith.constant 10112 : i32
    %mul3A_23 = arith.muli %arg0, %mul3A_22 : i32
    %mul3A_24 = arith.constant 632 : i32
    %mul3A_25 = arith.muli %arg1, %mul3A_24 : i32
    %add3A_26 = arith.addi %mul3A_23, %mul3A_25 : i32
    "tpu.region"() ({
      %run_scoped3A = tpu.sem_alloc : memref<!tpu.dma_semaphore, #tpu.memory_space<semaphore_mem>>
      %dma_start3A_27 = arith.constant 0 : i32
      %dma_start3A_28 = tpu.memref_slice %arg6[%add3A_26, %dma_start3A_27] : memref<20224x128xf32, #tpu.memory_space<hbm>> -> memref<632x128xf32, #tpu.memory_space<hbm>>
      %dma_start3A_29 = arith.constant 0 : i32
      %dma_start3A_30 = tpu.memref_slice %arg13[%mul3A_21, %dma_start3A_29] : memref<10112x128xf32, #tpu.memory_space<vmem_shared>> -> memref<632x128xf32, #tpu.memory_space<vmem_shared>>
      tpu.enqueue_dma source(%dma_start3A_30 : memref<632x128xf32, #tpu.memory_space<vmem_shared>>) target(%dma_start3A_28 : memref<632x128xf32, #tpu.memory_space<hbm>>) target_semaphore(%run_scoped3A : memref<!tpu.dma_semaphore, #tpu.memory_space<semaphore_mem>>)
      %dma_wait3A_31 = arith.constant 0 : i32
      %dma_wait3A_32 = tpu.memref_slice %arg6[%add3A_26, %dma_wait3A_31] : memref<20224x128xf32, #tpu.memory_space<hbm>> -> memref<632x128xf32, #tpu.memory_space<hbm>>
      %dma_wait3A_33 = arith.constant 0 : i32
      %dma_wait3A_34 = tpu.memref_slice %arg13[%mul3A_21, %dma_wait3A_33] : memref<10112x128xf32, #tpu.memory_space<vmem_shared>> -> memref<632x128xf32, #tpu.memory_space<vmem_shared>>
      tpu.wait_dma2 semaphore(%run_scoped3A : memref<!tpu.dma_semaphore, #tpu.memory_space<semaphore_mem>>) src(%dma_wait3A_34 : memref<632x128xf32, #tpu.memory_space<vmem_shared>>) dst(%dma_wait3A_32 : memref<632x128xf32, #tpu.memory_space<hbm>>)
      tpu.yield
    }) : () -> ()
    return
  }
}

#map = affine_map<(d0, d1) -> (0)>
#map1 = affine_map<(d0, d1) -> (0, 0)>
module attributes {stable_mosaic.version = 14 : i64} {
  func.func @k_fn(%arg0: i32, %arg1: i32, %arg2: memref<323584xi32, #tpu.memory_space<hbm>>, %arg3: memref<632x128xf32, #tpu.memory_space<hbm>>, %arg4: memref<128x128xf32, #tpu.memory_space<hbm>>, %arg5: memref<20224x128xf32, #tpu.memory_space<hbm>>, %arg6: memref<128xi32, #tpu.memory_space<vmem>>, %arg7: memref<128x128xf32, #tpu.memory_space<vmem>>, %arg8: memref<10112x128xf32, #tpu.memory_space<vmem_shared>>) attributes {dimension_semantics = [#tpu.dimension_semantics<core_parallel>, #tpu.dimension_semantics<subcore_parallel>], iteration_bounds = array<i64: 2, 16>, scalar_prefetch = 0 : i64, scratch_operands = 3 : i64, tpu.core_type = #tpu.core_type<sc_vector_subcore>, window_params = [{transform_indices = #map}, {transform_indices = #map1}, {transform_indices = #map1}, {transform_indices = #map1}]} {
    %mul3A = arith.constant 2 : i32
    %mul3A_0 = arith.muli %arg1, %mul3A : i32
    %add3A = arith.addi %mul3A_0, %arg0 : i32
    %mul3A_1 = arith.constant 632 : i32
    %mul3A_2 = arith.muli %arg1, %mul3A_1 : i32
    "tpu.region"() ({
      %run_scoped3A = tpu.sem_alloc : memref<!tpu.dma_semaphore, #tpu.memory_space<semaphore_mem>>
      %dma_start3A = arith.constant 0 : i32
      %dma_start3A_16 = tpu.memref_slice %arg8[%mul3A_2, %dma_start3A] : memref<10112x128xf32, #tpu.memory_space<vmem_shared>> -> memref<632x128xf32, #tpu.memory_space<vmem_shared>>
      tpu.enqueue_dma source(%arg3 : memref<632x128xf32, #tpu.memory_space<hbm>>) target(%dma_start3A_16 : memref<632x128xf32, #tpu.memory_space<vmem_shared>>) target_semaphore(%run_scoped3A : memref<!tpu.dma_semaphore, #tpu.memory_space<semaphore_mem>>)
      %dma_wait3A = arith.constant 0 : i32
      %dma_wait3A_17 = tpu.memref_slice %arg8[%mul3A_2, %dma_wait3A] : memref<10112x128xf32, #tpu.memory_space<vmem_shared>> -> memref<632x128xf32, #tpu.memory_space<vmem_shared>>
      tpu.wait_dma2 semaphore(%run_scoped3A : memref<!tpu.dma_semaphore, #tpu.memory_space<semaphore_mem>>) src(%arg3 : memref<632x128xf32, #tpu.memory_space<hbm>>) dst(%dma_wait3A_17 : memref<632x128xf32, #tpu.memory_space<vmem_shared>>)
      tpu.yield
    }) : () -> ()
    "tpu.region"() ({
      %run_scoped3A = tpu.sem_alloc : memref<!tpu.dma_semaphore, #tpu.memory_space<semaphore_mem>>
      tpu.enqueue_dma source(%arg4 : memref<128x128xf32, #tpu.memory_space<hbm>>) target(%arg7 : memref<128x128xf32, #tpu.memory_space<vmem>>) target_semaphore(%run_scoped3A : memref<!tpu.dma_semaphore, #tpu.memory_space<semaphore_mem>>)
      tpu.wait_dma2 semaphore(%run_scoped3A : memref<!tpu.dma_semaphore, #tpu.memory_space<semaphore_mem>>) src(%arg4 : memref<128x128xf32, #tpu.memory_space<hbm>>) dst(%arg7 : memref<128x128xf32, #tpu.memory_space<vmem>>)
      tpu.yield
    }) : () -> ()
    %barrier3A = arith.constant 0 : index
    tpu.barrier barrier_id(%barrier3A)
    %scan3A = arith.constant 0 : i32
    %scan3A_3 = arith.constant 0 : i32
    %scan3A_4 = arith.constant 79 : i32
    %scan3A_5 = arith.addi %scan3A_3, %scan3A_4 : i32
    %scan3A_6 = arith.constant 1 : i32
    scf.for %scan3A_16 = %scan3A_3 to %scan3A_5 step %scan3A_6  : i32 {
      %mul3A_17 = arith.constant 79 : i32
      %mul3A_18 = arith.muli %add3A, %mul3A_17 : i32
      %add3A_19 = arith.addi %mul3A_18, %scan3A_16 : i32
      %mul3A_20 = arith.constant 128 : i32
      %mul3A_21 = arith.muli %add3A_19, %mul3A_20 : i32
      "tpu.region"() ({
        %run_scoped3A = tpu.sem_alloc : memref<!tpu.dma_semaphore, #tpu.memory_space<semaphore_mem>>
        %dma_start3A = tpu.memref_slice %arg2[%mul3A_21] : memref<323584xi32, #tpu.memory_space<hbm>> -> memref<128xi32, #tpu.memory_space<hbm>>
        %dma_start3A_22 = tpu.memref_slice %arg2[%mul3A_21] : memref<323584xi32, #tpu.memory_space<hbm>> -> memref<128xi32, #tpu.memory_space<hbm>>
        tpu.enqueue_dma source(%dma_start3A_22 : memref<128xi32, #tpu.memory_space<hbm>>) target(%arg6 : memref<128xi32, #tpu.memory_space<vmem>>) target_semaphore(%run_scoped3A : memref<!tpu.dma_semaphore, #tpu.memory_space<semaphore_mem>>)
        %dma_wait3A = tpu.memref_slice %arg2[%mul3A_21] : memref<323584xi32, #tpu.memory_space<hbm>> -> memref<128xi32, #tpu.memory_space<hbm>>
        %dma_wait3A_23 = tpu.memref_slice %arg2[%mul3A_21] : memref<323584xi32, #tpu.memory_space<hbm>> -> memref<128xi32, #tpu.memory_space<hbm>>
        tpu.wait_dma2 semaphore(%run_scoped3A : memref<!tpu.dma_semaphore, #tpu.memory_space<semaphore_mem>>) src(%dma_wait3A_23 : memref<128xi32, #tpu.memory_space<hbm>>) dst(%arg6 : memref<128xi32, #tpu.memory_space<vmem>>)
        tpu.yield
      }) : () -> ()
      "tpu.region"() ({
        %run_scoped3A = tpu.sem_alloc : memref<!tpu.dma_semaphore, #tpu.memory_space<semaphore_mem>>
        %dma_start3A = arith.constant 0 : i32
        %dma_start3A_22 = arith.constant 0 : i32
        %dma_start3A_23 = tpu.memref_slice %arg8[%dma_start3A, %dma_start3A_22] : memref<10112x128xf32, #tpu.memory_space<vmem_shared>> -> memref<10112x128xf32, #tpu.memory_space<vmem_shared>>
        tpu.enqueue_indirect_dma source(%arg7 : memref<128x128xf32, #tpu.memory_space<vmem>>) target(%dma_start3A_23 : memref<10112x128xf32, #tpu.memory_space<vmem_shared>>) offsets(%arg6 : memref<128xi32, #tpu.memory_space<vmem>>) semaphore(%run_scoped3A : memref<!tpu.dma_semaphore, #tpu.memory_space<semaphore_mem>>) {add = true}
        %dma_wait3A = arith.constant 0 : i32
        %dma_wait3A_24 = arith.constant 0 : i32
        %dma_wait3A_25 = tpu.memref_slice %arg8[%dma_wait3A, %dma_wait3A_24] : memref<10112x128xf32, #tpu.memory_space<vmem_shared>> -> memref<10112x128xf32, #tpu.memory_space<vmem_shared>>
        tpu.wait_indirect_dma semaphore(%run_scoped3A : memref<!tpu.dma_semaphore, #tpu.memory_space<semaphore_mem>>) src(%arg7 : memref<128x128xf32, #tpu.memory_space<vmem>>) dst(%dma_wait3A_25 : memref<10112x128xf32, #tpu.memory_space<vmem_shared>>)
        tpu.yield
      }) : () -> ()
    }
    %scan3A_7 = arith.constant 79 : i32
    %barrier3A_8 = arith.constant 0 : index
    tpu.barrier barrier_id(%barrier3A_8)
    %mul3A_9 = arith.constant 632 : i32
    %mul3A_10 = arith.muli %arg1, %mul3A_9 : i32
    %mul3A_11 = arith.constant 10112 : i32
    %mul3A_12 = arith.muli %arg0, %mul3A_11 : i32
    %mul3A_13 = arith.constant 632 : i32
    %mul3A_14 = arith.muli %arg1, %mul3A_13 : i32
    %add3A_15 = arith.addi %mul3A_12, %mul3A_14 : i32
    "tpu.region"() ({
      %run_scoped3A = tpu.sem_alloc : memref<!tpu.dma_semaphore, #tpu.memory_space<semaphore_mem>>
      %dma_start3A = arith.constant 0 : i32
      %dma_start3A_16 = tpu.memref_slice %arg5[%add3A_15, %dma_start3A] : memref<20224x128xf32, #tpu.memory_space<hbm>> -> memref<632x128xf32, #tpu.memory_space<hbm>>
      %dma_start3A_17 = arith.constant 0 : i32
      %dma_start3A_18 = tpu.memref_slice %arg8[%mul3A_10, %dma_start3A_17] : memref<10112x128xf32, #tpu.memory_space<vmem_shared>> -> memref<632x128xf32, #tpu.memory_space<vmem_shared>>
      tpu.enqueue_dma source(%dma_start3A_18 : memref<632x128xf32, #tpu.memory_space<vmem_shared>>) target(%dma_start3A_16 : memref<632x128xf32, #tpu.memory_space<hbm>>) target_semaphore(%run_scoped3A : memref<!tpu.dma_semaphore, #tpu.memory_space<semaphore_mem>>)
      %dma_wait3A = arith.constant 0 : i32
      %dma_wait3A_19 = tpu.memref_slice %arg5[%add3A_15, %dma_wait3A] : memref<20224x128xf32, #tpu.memory_space<hbm>> -> memref<632x128xf32, #tpu.memory_space<hbm>>
      %dma_wait3A_20 = arith.constant 0 : i32
      %dma_wait3A_21 = tpu.memref_slice %arg8[%mul3A_10, %dma_wait3A_20] : memref<10112x128xf32, #tpu.memory_space<vmem_shared>> -> memref<632x128xf32, #tpu.memory_space<vmem_shared>>
      tpu.wait_dma2 semaphore(%run_scoped3A : memref<!tpu.dma_semaphore, #tpu.memory_space<semaphore_mem>>) src(%dma_wait3A_21 : memref<632x128xf32, #tpu.memory_space<vmem_shared>>) dst(%dma_wait3A_19 : memref<632x128xf32, #tpu.memory_space<hbm>>)
      tpu.yield
    }) : () -> ()
    return
  }
}

#map = affine_map<(d0, d1) -> (0, 0)>
#map1 = affine_map<(d0, d1) -> (0)>
module attributes {stable_mosaic.version = 14 : i64} {
  func.func @k_fn(%arg0: i32, %arg1: i32, %arg2: memref<10000x128xf32, #tpu.memory_space<hbm>>, %arg3: memref<323584xi32, #tpu.memory_space<hbm>>, %arg4: memref<323584xi32, #tpu.memory_space<hbm>>, %arg5: memref<632x128xf32, #tpu.memory_space<hbm>>, %arg6: memref<20224x128xf32, #tpu.memory_space<hbm>>, %arg7: memref<128xi32, #tpu.memory_space<vmem>>, %arg8: memref<128xi32, #tpu.memory_space<vmem>>, %arg9: memref<128xi32, #tpu.memory_space<vmem>>, %arg10: memref<128xi32, #tpu.memory_space<vmem>>, %arg11: memref<128x128xf32, #tpu.memory_space<vmem>>, %arg12: memref<128x128xf32, #tpu.memory_space<vmem>>, %arg13: memref<10112x128xf32, #tpu.memory_space<vmem_shared>>, %arg14: memref<!tpu.dma_semaphore, #tpu.memory_space<semaphore_mem>>, %arg15: memref<!tpu.dma_semaphore, #tpu.memory_space<semaphore_mem>>) attributes {dimension_semantics = [#tpu.dimension_semantics<core_parallel>, #tpu.dimension_semantics<subcore_parallel>], iteration_bounds = array<i64: 2, 16>, scalar_prefetch = 0 : i64, scratch_operands = 9 : i64, tpu.core_type = #tpu.core_type<sc_vector_subcore>, window_params = [{transform_indices = #map}, {transform_indices = #map1}, {transform_indices = #map1}, {transform_indices = #map}, {transform_indices = #map}]} {
    %mul3A = arith.constant 2 : i32
    %mul3A_0 = arith.muli %arg1, %mul3A : i32
    %add3A = arith.addi %mul3A_0, %arg0 : i32
    %mul3A_1 = arith.constant 632 : i32
    %mul3A_2 = arith.muli %arg1, %mul3A_1 : i32
    "tpu.region"() ({
      %run_scoped3A = tpu.sem_alloc : memref<!tpu.dma_semaphore, #tpu.memory_space<semaphore_mem>>
      %dma_start3A_27 = arith.constant 0 : i32
      %dma_start3A_28 = tpu.memref_slice %arg13[%mul3A_2, %dma_start3A_27] : memref<10112x128xf32, #tpu.memory_space<vmem_shared>> -> memref<632x128xf32, #tpu.memory_space<vmem_shared>>
      tpu.enqueue_dma source(%arg5 : memref<632x128xf32, #tpu.memory_space<hbm>>) target(%dma_start3A_28 : memref<632x128xf32, #tpu.memory_space<vmem_shared>>) target_semaphore(%run_scoped3A : memref<!tpu.dma_semaphore, #tpu.memory_space<semaphore_mem>>)
      %dma_wait3A_29 = arith.constant 0 : i32
      %dma_wait3A_30 = tpu.memref_slice %arg13[%mul3A_2, %dma_wait3A_29] : memref<10112x128xf32, #tpu.memory_space<vmem_shared>> -> memref<632x128xf32, #tpu.memory_space<vmem_shared>>
      tpu.wait_dma2 semaphore(%run_scoped3A : memref<!tpu.dma_semaphore, #tpu.memory_space<semaphore_mem>>) src(%arg5 : memref<632x128xf32, #tpu.memory_space<hbm>>) dst(%dma_wait3A_30 : memref<632x128xf32, #tpu.memory_space<vmem_shared>>)
      tpu.yield
    }) : () -> ()
    %barrier3A = arith.constant 0 : index
    tpu.barrier barrier_id(%barrier3A)
    %mul3A_3 = arith.constant 79 : i32
    %mul3A_4 = arith.muli %add3A, %mul3A_3 : i32
    %min3A = arith.constant 0 : i32
    %min3A_5 = arith.constant 78 : i32
    %min3A_6 = arith.minsi %min3A, %min3A_5 : i32
    %add3A_7 = arith.addi %mul3A_4, %min3A_6 : i32
    %mul3A_8 = arith.constant 128 : i32
    %mul3A_9 = arith.muli %add3A_7, %mul3A_8 : i32
    "tpu.region"() ({
      %run_scoped3A = tpu.sem_alloc : memref<!tpu.dma_semaphore, #tpu.memory_space<semaphore_mem>>
      %dma_start3A_27 = tpu.memref_slice %arg3[%mul3A_9] : memref<323584xi32, #tpu.memory_space<hbm>> -> memref<128xi32, #tpu.memory_space<hbm>>
      %dma_start3A_28 = tpu.memref_slice %arg3[%mul3A_9] : memref<323584xi32, #tpu.memory_space<hbm>> -> memref<128xi32, #tpu.memory_space<hbm>>
      tpu.enqueue_dma source(%dma_start3A_28 : memref<128xi32, #tpu.memory_space<hbm>>) target(%arg7 : memref<128xi32, #tpu.memory_space<vmem>>) target_semaphore(%run_scoped3A : memref<!tpu.dma_semaphore, #tpu.memory_space<semaphore_mem>>)
      %dma_wait3A_29 = tpu.memref_slice %arg3[%mul3A_9] : memref<323584xi32, #tpu.memory_space<hbm>> -> memref<128xi32, #tpu.memory_space<hbm>>
      %dma_wait3A_30 = tpu.memref_slice %arg3[%mul3A_9] : memref<323584xi32, #tpu.memory_space<hbm>> -> memref<128xi32, #tpu.memory_space<hbm>>
      tpu.wait_dma2 semaphore(%run_scoped3A : memref<!tpu.dma_semaphore, #tpu.memory_space<semaphore_mem>>) src(%dma_wait3A_30 : memref<128xi32, #tpu.memory_space<hbm>>) dst(%arg7 : memref<128xi32, #tpu.memory_space<vmem>>)
      tpu.yield
    }) : () -> ()
    "tpu.region"() ({
      %run_scoped3A = tpu.sem_alloc : memref<!tpu.dma_semaphore, #tpu.memory_space<semaphore_mem>>
      %dma_start3A_27 = tpu.memref_slice %arg4[%mul3A_9] : memref<323584xi32, #tpu.memory_space<hbm>> -> memref<128xi32, #tpu.memory_space<hbm>>
      %dma_start3A_28 = tpu.memref_slice %arg4[%mul3A_9] : memref<323584xi32, #tpu.memory_space<hbm>> -> memref<128xi32, #tpu.memory_space<hbm>>
      tpu.enqueue_dma source(%dma_start3A_28 : memref<128xi32, #tpu.memory_space<hbm>>) target(%arg8 : memref<128xi32, #tpu.memory_space<vmem>>) target_semaphore(%run_scoped3A : memref<!tpu.dma_semaphore, #tpu.memory_space<semaphore_mem>>)
      %dma_wait3A_29 = tpu.memref_slice %arg4[%mul3A_9] : memref<323584xi32, #tpu.memory_space<hbm>> -> memref<128xi32, #tpu.memory_space<hbm>>
      %dma_wait3A_30 = tpu.memref_slice %arg4[%mul3A_9] : memref<323584xi32, #tpu.memory_space<hbm>> -> memref<128xi32, #tpu.memory_space<hbm>>
      tpu.wait_dma2 semaphore(%run_scoped3A : memref<!tpu.dma_semaphore, #tpu.memory_space<semaphore_mem>>) src(%dma_wait3A_30 : memref<128xi32, #tpu.memory_space<hbm>>) dst(%arg8 : memref<128xi32, #tpu.memory_space<vmem>>)
      tpu.yield
    }) : () -> ()
    %dma_start3A = arith.constant 0 : i32
    %dma_start3A_10 = arith.constant 0 : i32
    %dma_start3A_11 = tpu.memref_slice %arg2[%dma_start3A, %dma_start3A_10] : memref<10000x128xf32, #tpu.memory_space<hbm>> -> memref<10000x128xf32, #tpu.memory_space<hbm>>
    tpu.enqueue_indirect_dma source(%dma_start3A_11 : memref<10000x128xf32, #tpu.memory_space<hbm>>) target(%arg11 : memref<128x128xf32, #tpu.memory_space<vmem>>) offsets(%arg7 : memref<128xi32, #tpu.memory_space<vmem>>) semaphore(%arg14 : memref<!tpu.dma_semaphore, #tpu.memory_space<semaphore_mem>>)
    %scan3A = arith.constant 0 : i32
    %scan3A_12 = arith.constant 0 : i32
    %scan3A_13 = arith.constant 40 : i32
    %scan3A_14 = arith.addi %scan3A_12, %scan3A_13 : i32
    %scan3A_15 = arith.constant 1 : i32
    scf.for %scan3A_27 = %scan3A_12 to %scan3A_14 step %scan3A_15  : i32 {
      %mul3A_28 = arith.constant 2 : i32
      %mul3A_29 = arith.muli %mul3A_28, %scan3A_27 : i32
      %add3A_30 = arith.constant 1 : i32
      %add3A_31 = arith.addi %mul3A_29, %add3A_30 : i32
      %mul3A_32 = arith.constant 79 : i32
      %mul3A_33 = arith.muli %add3A, %mul3A_32 : i32
      %min3A_34 = arith.constant 78 : i32
      %min3A_35 = arith.minsi %add3A_31, %min3A_34 : i32
      %add3A_36 = arith.addi %mul3A_33, %min3A_35 : i32
      %mul3A_37 = arith.constant 128 : i32
      %mul3A_38 = arith.muli %add3A_36, %mul3A_37 : i32
      "tpu.region"() ({
        %run_scoped3A = tpu.sem_alloc : memref<!tpu.dma_semaphore, #tpu.memory_space<semaphore_mem>>
        %dma_start3A_64 = tpu.memref_slice %arg3[%mul3A_38] : memref<323584xi32, #tpu.memory_space<hbm>> -> memref<128xi32, #tpu.memory_space<hbm>>
        %dma_start3A_65 = tpu.memref_slice %arg3[%mul3A_38] : memref<323584xi32, #tpu.memory_space<hbm>> -> memref<128xi32, #tpu.memory_space<hbm>>
        tpu.enqueue_dma source(%dma_start3A_65 : memref<128xi32, #tpu.memory_space<hbm>>) target(%arg9 : memref<128xi32, #tpu.memory_space<vmem>>) target_semaphore(%run_scoped3A : memref<!tpu.dma_semaphore, #tpu.memory_space<semaphore_mem>>)
        %dma_wait3A_66 = tpu.memref_slice %arg3[%mul3A_38] : memref<323584xi32, #tpu.memory_space<hbm>> -> memref<128xi32, #tpu.memory_space<hbm>>
        %dma_wait3A_67 = tpu.memref_slice %arg3[%mul3A_38] : memref<323584xi32, #tpu.memory_space<hbm>> -> memref<128xi32, #tpu.memory_space<hbm>>
        tpu.wait_dma2 semaphore(%run_scoped3A : memref<!tpu.dma_semaphore, #tpu.memory_space<semaphore_mem>>) src(%dma_wait3A_67 : memref<128xi32, #tpu.memory_space<hbm>>) dst(%arg9 : memref<128xi32, #tpu.memory_space<vmem>>)
        tpu.yield
      }) : () -> ()
      "tpu.region"() ({
        %run_scoped3A = tpu.sem_alloc : memref<!tpu.dma_semaphore, #tpu.memory_space<semaphore_mem>>
        %dma_start3A_64 = tpu.memref_slice %arg4[%mul3A_38] : memref<323584xi32, #tpu.memory_space<hbm>> -> memref<128xi32, #tpu.memory_space<hbm>>
        %dma_start3A_65 = tpu.memref_slice %arg4[%mul3A_38] : memref<323584xi32, #tpu.memory_space<hbm>> -> memref<128xi32, #tpu.memory_space<hbm>>
        tpu.enqueue_dma source(%dma_start3A_65 : memref<128xi32, #tpu.memory_space<hbm>>) target(%arg10 : memref<128xi32, #tpu.memory_space<vmem>>) target_semaphore(%run_scoped3A : memref<!tpu.dma_semaphore, #tpu.memory_space<semaphore_mem>>)
        %dma_wait3A_66 = tpu.memref_slice %arg4[%mul3A_38] : memref<323584xi32, #tpu.memory_space<hbm>> -> memref<128xi32, #tpu.memory_space<hbm>>
        %dma_wait3A_67 = tpu.memref_slice %arg4[%mul3A_38] : memref<323584xi32, #tpu.memory_space<hbm>> -> memref<128xi32, #tpu.memory_space<hbm>>
        tpu.wait_dma2 semaphore(%run_scoped3A : memref<!tpu.dma_semaphore, #tpu.memory_space<semaphore_mem>>) src(%dma_wait3A_67 : memref<128xi32, #tpu.memory_space<hbm>>) dst(%arg10 : memref<128xi32, #tpu.memory_space<vmem>>)
        tpu.yield
      }) : () -> ()
      %dma_wait3A_39 = arith.constant 0 : i32
      %dma_wait3A_40 = arith.constant 0 : i32
      %dma_wait3A_41 = tpu.memref_slice %arg2[%dma_wait3A_39, %dma_wait3A_40] : memref<10000x128xf32, #tpu.memory_space<hbm>> -> memref<10000x128xf32, #tpu.memory_space<hbm>>
      tpu.wait_indirect_dma semaphore(%arg14 : memref<!tpu.dma_semaphore, #tpu.memory_space<semaphore_mem>>) src(%dma_wait3A_41 : memref<10000x128xf32, #tpu.memory_space<hbm>>) dst(%arg11 : memref<128x128xf32, #tpu.memory_space<vmem>>)
      %dma_start3A_42 = arith.constant 0 : i32
      %dma_start3A_43 = arith.constant 0 : i32
      %dma_start3A_44 = tpu.memref_slice %arg2[%dma_start3A_42, %dma_start3A_43] : memref<10000x128xf32, #tpu.memory_space<hbm>> -> memref<10000x128xf32, #tpu.memory_space<hbm>>
      tpu.enqueue_indirect_dma source(%dma_start3A_44 : memref<10000x128xf32, #tpu.memory_space<hbm>>) target(%arg12 : memref<128x128xf32, #tpu.memory_space<vmem>>) offsets(%arg9 : memref<128xi32, #tpu.memory_space<vmem>>) semaphore(%arg15 : memref<!tpu.dma_semaphore, #tpu.memory_space<semaphore_mem>>)
      "tpu.region"() ({
        %run_scoped3A = tpu.sem_alloc : memref<!tpu.dma_semaphore, #tpu.memory_space<semaphore_mem>>
        %dma_start3A_64 = arith.constant 0 : i32
        %dma_start3A_65 = arith.constant 0 : i32
        %dma_start3A_66 = tpu.memref_slice %arg13[%dma_start3A_64, %dma_start3A_65] : memref<10112x128xf32, #tpu.memory_space<vmem_shared>> -> memref<10112x128xf32, #tpu.memory_space<vmem_shared>>
        tpu.enqueue_indirect_dma source(%arg11 : memref<128x128xf32, #tpu.memory_space<vmem>>) target(%dma_start3A_66 : memref<10112x128xf32, #tpu.memory_space<vmem_shared>>) offsets(%arg8 : memref<128xi32, #tpu.memory_space<vmem>>) semaphore(%run_scoped3A : memref<!tpu.dma_semaphore, #tpu.memory_space<semaphore_mem>>) {add = true}
        %dma_wait3A_67 = arith.constant 0 : i32
        %dma_wait3A_68 = arith.constant 0 : i32
        %dma_wait3A_69 = tpu.memref_slice %arg13[%dma_wait3A_67, %dma_wait3A_68] : memref<10112x128xf32, #tpu.memory_space<vmem_shared>> -> memref<10112x128xf32, #tpu.memory_space<vmem_shared>>
        tpu.wait_indirect_dma semaphore(%run_scoped3A : memref<!tpu.dma_semaphore, #tpu.memory_space<semaphore_mem>>) src(%arg11 : memref<128x128xf32, #tpu.memory_space<vmem>>) dst(%dma_wait3A_69 : memref<10112x128xf32, #tpu.memory_space<vmem_shared>>)
        tpu.yield
      }) : () -> ()
      %add3A_45 = arith.constant 2 : i32
      %add3A_46 = arith.addi %mul3A_29, %add3A_45 : i32
      %mul3A_47 = arith.constant 79 : i32
      %mul3A_48 = arith.muli %add3A, %mul3A_47 : i32
      %min3A_49 = arith.constant 78 : i32
      %min3A_50 = arith.minsi %add3A_46, %min3A_49 : i32
      %add3A_51 = arith.addi %mul3A_48, %min3A_50 : i32
      %mul3A_52 = arith.constant 128 : i32
      %mul3A_53 = arith.muli %add3A_51, %mul3A_52 : i32
      "tpu.region"() ({
        %run_scoped3A = tpu.sem_alloc : memref<!tpu.dma_semaphore, #tpu.memory_space<semaphore_mem>>
        %dma_start3A_64 = tpu.memref_slice %arg3[%mul3A_53] : memref<323584xi32, #tpu.memory_space<hbm>> -> memref<128xi32, #tpu.memory_space<hbm>>
        %dma_start3A_65 = tpu.memref_slice %arg3[%mul3A_53] : memref<323584xi32, #tpu.memory_space<hbm>> -> memref<128xi32, #tpu.memory_space<hbm>>
        tpu.enqueue_dma source(%dma_start3A_65 : memref<128xi32, #tpu.memory_space<hbm>>) target(%arg7 : memref<128xi32, #tpu.memory_space<vmem>>) target_semaphore(%run_scoped3A : memref<!tpu.dma_semaphore, #tpu.memory_space<semaphore_mem>>)
        %dma_wait3A_66 = tpu.memref_slice %arg3[%mul3A_53] : memref<323584xi32, #tpu.memory_space<hbm>> -> memref<128xi32, #tpu.memory_space<hbm>>
        %dma_wait3A_67 = tpu.memref_slice %arg3[%mul3A_53] : memref<323584xi32, #tpu.memory_space<hbm>> -> memref<128xi32, #tpu.memory_space<hbm>>
        tpu.wait_dma2 semaphore(%run_scoped3A : memref<!tpu.dma_semaphore, #tpu.memory_space<semaphore_mem>>) src(%dma_wait3A_67 : memref<128xi32, #tpu.memory_space<hbm>>) dst(%arg7 : memref<128xi32, #tpu.memory_space<vmem>>)
        tpu.yield
      }) : () -> ()
      "tpu.region"() ({
        %run_scoped3A = tpu.sem_alloc : memref<!tpu.dma_semaphore, #tpu.memory_space<semaphore_mem>>
        %dma_start3A_64 = tpu.memref_slice %arg4[%mul3A_53] : memref<323584xi32, #tpu.memory_space<hbm>> -> memref<128xi32, #tpu.memory_space<hbm>>
        %dma_start3A_65 = tpu.memref_slice %arg4[%mul3A_53] : memref<323584xi32, #tpu.memory_space<hbm>> -> memref<128xi32, #tpu.memory_space<hbm>>
        tpu.enqueue_dma source(%dma_start3A_65 : memref<128xi32, #tpu.memory_space<hbm>>) target(%arg8 : memref<128xi32, #tpu.memory_space<vmem>>) target_semaphore(%run_scoped3A : memref<!tpu.dma_semaphore, #tpu.memory_space<semaphore_mem>>)
        %dma_wait3A_66 = tpu.memref_slice %arg4[%mul3A_53] : memref<323584xi32, #tpu.memory_space<hbm>> -> memref<128xi32, #tpu.memory_space<hbm>>
        %dma_wait3A_67 = tpu.memref_slice %arg4[%mul3A_53] : memref<323584xi32, #tpu.memory_space<hbm>> -> memref<128xi32, #tpu.memory_space<hbm>>
        tpu.wait_dma2 semaphore(%run_scoped3A : memref<!tpu.dma_semaphore, #tpu.memory_space<semaphore_mem>>) src(%dma_wait3A_67 : memref<128xi32, #tpu.memory_space<hbm>>) dst(%arg8 : memref<128xi32, #tpu.memory_space<vmem>>)
        tpu.yield
      }) : () -> ()
      %dma_wait3A_54 = arith.constant 0 : i32
      %dma_wait3A_55 = arith.constant 0 : i32
      %dma_wait3A_56 = tpu.memref_slice %arg2[%dma_wait3A_54, %dma_wait3A_55] : memref<10000x128xf32, #tpu.memory_space<hbm>> -> memref<10000x128xf32, #tpu.memory_space<hbm>>
      tpu.wait_indirect_dma semaphore(%arg15 : memref<!tpu.dma_semaphore, #tpu.memory_space<semaphore_mem>>) src(%dma_wait3A_56 : memref<10000x128xf32, #tpu.memory_space<hbm>>) dst(%arg12 : memref<128x128xf32, #tpu.memory_space<vmem>>)
      %dma_start3A_57 = arith.constant 0 : i32
      %dma_start3A_58 = arith.constant 0 : i32
      %dma_start3A_59 = tpu.memref_slice %arg2[%dma_start3A_57, %dma_start3A_58] : memref<10000x128xf32, #tpu.memory_space<hbm>> -> memref<10000x128xf32, #tpu.memory_space<hbm>>
      tpu.enqueue_indirect_dma source(%dma_start3A_59 : memref<10000x128xf32, #tpu.memory_space<hbm>>) target(%arg11 : memref<128x128xf32, #tpu.memory_space<vmem>>) offsets(%arg7 : memref<128xi32, #tpu.memory_space<vmem>>) semaphore(%arg14 : memref<!tpu.dma_semaphore, #tpu.memory_space<semaphore_mem>>)
      %add3A_60 = arith.constant 1 : i32
      %add3A_61 = arith.addi %mul3A_29, %add3A_60 : i32
      %le3A = arith.constant 78 : i32
      %le3A_62 = arith.cmpi sle, %add3A_61, %le3A : i32
      %convert_element_type3A = arith.extui %le3A_62 : i1 to i32
      %cond3A = arith.constant 0 : i32
      %cond3A_63 = arith.cmpi ne, %convert_element_type3A, %cond3A : i32
      scf.if %cond3A_63 {
        "tpu.region"() ({
          %run_scoped3A = tpu.sem_alloc : memref<!tpu.dma_semaphore, #tpu.memory_space<semaphore_mem>>
          %dma_start3A_64 = arith.constant 0 : i32
          %dma_start3A_65 = arith.constant 0 : i32
          %dma_start3A_66 = tpu.memref_slice %arg13[%dma_start3A_64, %dma_start3A_65] : memref<10112x128xf32, #tpu.memory_space<vmem_shared>> -> memref<10112x128xf32, #tpu.memory_space<vmem_shared>>
          tpu.enqueue_indirect_dma source(%arg12 : memref<128x128xf32, #tpu.memory_space<vmem>>) target(%dma_start3A_66 : memref<10112x128xf32, #tpu.memory_space<vmem_shared>>) offsets(%arg10 : memref<128xi32, #tpu.memory_space<vmem>>) semaphore(%run_scoped3A : memref<!tpu.dma_semaphore, #tpu.memory_space<semaphore_mem>>) {add = true}
          %dma_wait3A_67 = arith.constant 0 : i32
          %dma_wait3A_68 = arith.constant 0 : i32
          %dma_wait3A_69 = tpu.memref_slice %arg13[%dma_wait3A_67, %dma_wait3A_68] : memref<10112x128xf32, #tpu.memory_space<vmem_shared>> -> memref<10112x128xf32, #tpu.memory_space<vmem_shared>>
          tpu.wait_indirect_dma semaphore(%run_scoped3A : memref<!tpu.dma_semaphore, #tpu.memory_space<semaphore_mem>>) src(%arg12 : memref<128x128xf32, #tpu.memory_space<vmem>>) dst(%dma_wait3A_69 : memref<10112x128xf32, #tpu.memory_space<vmem_shared>>)
          tpu.yield
        }) : () -> ()
      } else {
      }
    }
    %scan3A_16 = arith.constant 40 : i32
    %dma_wait3A = arith.constant 0 : i32
    %dma_wait3A_17 = arith.constant 0 : i32
    %dma_wait3A_18 = tpu.memref_slice %arg2[%dma_wait3A, %dma_wait3A_17] : memref<10000x128xf32, #tpu.memory_space<hbm>> -> memref<10000x128xf32, #tpu.memory_space<hbm>>
    tpu.wait_indirect_dma semaphore(%arg14 : memref<!tpu.dma_semaphore, #tpu.memory_space<semaphore_mem>>) src(%dma_wait3A_18 : memref<10000x128xf32, #tpu.memory_space<hbm>>) dst(%arg11 : memref<128x128xf32, #tpu.memory_space<vmem>>)
    %barrier3A_19 = arith.constant 0 : index
    tpu.barrier barrier_id(%barrier3A_19)
    %mul3A_20 = arith.constant 632 : i32
    %mul3A_21 = arith.muli %arg1, %mul3A_20 : i32
    %mul3A_22 = arith.constant 10112 : i32
    %mul3A_23 = arith.muli %arg0, %mul3A_22 : i32
    %mul3A_24 = arith.constant 632 : i32
    %mul3A_25 = arith.muli %arg1, %mul3A_24 : i32
    %add3A_26 = arith.addi %mul3A_23, %mul3A_25 : i32
    "tpu.region"() ({
      %run_scoped3A = tpu.sem_alloc : memref<!tpu.dma_semaphore, #tpu.memory_space<semaphore_mem>>
      %dma_start3A_27 = arith.constant 0 : i32
      %dma_start3A_28 = tpu.memref_slice %arg6[%add3A_26, %dma_start3A_27] : memref<20224x128xf32, #tpu.memory_space<hbm>> -> memref<632x128xf32, #tpu.memory_space<hbm>>
      %dma_start3A_29 = arith.constant 0 : i32
      %dma_start3A_30 = tpu.memref_slice %arg13[%mul3A_21, %dma_start3A_29] : memref<10112x128xf32, #tpu.memory_space<vmem_shared>> -> memref<632x128xf32, #tpu.memory_space<vmem_shared>>
      tpu.enqueue_dma source(%dma_start3A_30 : memref<632x128xf32, #tpu.memory_space<vmem_shared>>) target(%dma_start3A_28 : memref<632x128xf32, #tpu.memory_space<hbm>>) target_semaphore(%run_scoped3A : memref<!tpu.dma_semaphore, #tpu.memory_space<semaphore_mem>>)
      %dma_wait3A_31 = arith.constant 0 : i32
      %dma_wait3A_32 = tpu.memref_slice %arg6[%add3A_26, %dma_wait3A_31] : memref<20224x128xf32, #tpu.memory_space<hbm>> -> memref<632x128xf32, #tpu.memory_space<hbm>>
      %dma_wait3A_33 = arith.constant 0 : i32
      %dma_wait3A_34 = tpu.memref_slice %arg13[%mul3A_21, %dma_wait3A_33] : memref<10112x128xf32, #tpu.memory_space<vmem_shared>> -> memref<632x128xf32, #tpu.memory_space<vmem_shared>>
      tpu.wait_dma2 semaphore(%run_scoped3A : memref<!tpu.dma_semaphore, #tpu.memory_space<semaphore_mem>>) src(%dma_wait3A_34 : memref<632x128xf32, #tpu.memory_space<vmem_shared>>) dst(%dma_wait3A_32 : memref<632x128xf32, #tpu.memory_space<hbm>>)
      tpu.yield
    }) : () -> ()
    return
  }
}

module attributes {stable_mosaic.version = 14 : i64} {
  func.func @_tc1_body(%arg0: i32, %arg1: memref<2x400x128xf32, #tpu.memory_space<vmem>>, %arg2: memref<2x400x128xf32, #tpu.memory_space<vmem>>, %arg3: memref<400x128xf32, #tpu.memory_space<vmem>>, %arg4: memref<128x128xf32, #tpu.memory_space<vmem>>, %arg5: memref<1x128xf32, #tpu.memory_space<vmem>>, %arg6: memref<128x128xf32, #tpu.memory_space<vmem>>, %arg7: memref<128x128xf32, #tpu.memory_space<vmem>>, %arg8: memref<1x128xf32, #tpu.memory_space<vmem>>, %arg9: memref<128x128xf32, #tpu.memory_space<vmem>>, %arg10: memref<400x128xf32, #tpu.memory_space<vmem>>, %arg11: memref<400x128xf32, #tpu.memory_space<vmem>>) attributes {dimension_semantics = [#tpu.dimension_semantics<arbitrary>], iteration_bounds = array<i64: 25>, scalar_prefetch = 0 : i64, scratch_operands = 0 : i64, tpu.core_type = #tpu.core_type<tc>, window_params = [{transform_indices = @transform_0, window_bounds = array<i64: 2, 400, 128>}, {transform_indices = @transform_1, window_bounds = array<i64: 2, 400, 128>}, {transform_indices = @transform_2, window_bounds = array<i64: 400, 128>}, {pipeline_mode = #tpu.pipeline_mode<synchronous>, transform_indices = @transform_3, window_bounds = array<i64: 128, 128>}, {pipeline_mode = #tpu.pipeline_mode<synchronous>, transform_indices = @transform_4, window_bounds = array<i64: 1, 128>}, {pipeline_mode = #tpu.pipeline_mode<synchronous>, transform_indices = @transform_5, window_bounds = array<i64: 128, 128>}, {pipeline_mode = #tpu.pipeline_mode<synchronous>, transform_indices = @transform_6, window_bounds = array<i64: 128, 128>}, {pipeline_mode = #tpu.pipeline_mode<synchronous>, transform_indices = @transform_7, window_bounds = array<i64: 1, 128>}, {pipeline_mode = #tpu.pipeline_mode<synchronous>, transform_indices = @transform_8, window_bounds = array<i64: 128, 128>}, {transform_indices = @transform_9, window_bounds = array<i64: 400, 128>}, {transform_indices = @transform_10, window_bounds = array<i64: 400, 128>}]} {
    %get3A = arith.constant 0 : index
    %get3A_0 = arith.constant 0 : index
    %get3A_1 = arith.constant 0 : index
    %get3A_2 = vector.load %arg2[%get3A, %get3A_0, %get3A_1] : memref<2x400x128xf32, #tpu.memory_space<vmem>>, vector<1x400x1xf32>
    %get3A_3 = vector.shape_cast %get3A_2 : vector<1x400x1xf32> to vector<400x1xf32>
    %get3A_4 = arith.constant 1 : index
    %get3A_5 = arith.constant 0 : index
    %get3A_6 = arith.constant 0 : index
    %get3A_7 = vector.load %arg2[%get3A_4, %get3A_5, %get3A_6] : memref<2x400x128xf32, #tpu.memory_space<vmem>>, vector<1x400x1xf32>
    %get3A_8 = vector.shape_cast %get3A_7 : vector<1x400x1xf32> to vector<400x1xf32>
    %add3A = arith.addf %get3A_3, %get3A_8 : vector<400x1xf32>
    %max3A = arith.constant 1.000000e+00 : f32
    %max3A_9 = vector.broadcast %max3A : f32 to vector<400x1xf32>
    %max3A_10 = arith.maximumf %add3A, %max3A_9 : vector<400x1xf32>
    %get3A_11 = arith.constant 0 : index
    %get3A_12 = arith.constant 0 : index
    %get3A_13 = arith.constant 0 : index
    %get3A_14 = vector.load %arg1[%get3A_11, %get3A_12, %get3A_13] : memref<2x400x128xf32, #tpu.memory_space<vmem>>, vector<1x400x128xf32>
    %get3A_15 = vector.shape_cast %get3A_14 : vector<1x400x128xf32> to vector<400x128xf32>
    %get3A_16 = arith.constant 1 : index
    %get3A_17 = arith.constant 0 : index
    %get3A_18 = arith.constant 0 : index
    %get3A_19 = vector.load %arg1[%get3A_16, %get3A_17, %get3A_18] : memref<2x400x128xf32, #tpu.memory_space<vmem>>, vector<1x400x128xf32>
    %get3A_20 = vector.shape_cast %get3A_19 : vector<1x400x128xf32> to vector<400x128xf32>
    %add3A_21 = arith.addf %get3A_15, %get3A_20 : vector<400x128xf32>
    %div3A = vector.broadcast %max3A_10 : vector<400x1xf32> to vector<400x128xf32>
    %div3A_22 = arith.divf %add3A_21, %div3A : vector<400x128xf32>
    %get3A_23 = arith.constant 0 : index
    %get3A_24 = arith.constant 0 : index
    %get3A_25 = vector.load %arg3[%get3A_23, %get3A_24] : memref<400x128xf32, #tpu.memory_space<vmem>>, vector<400x128xf32>
    %get3A_26 = arith.constant 0 : index
    %get3A_27 = arith.constant 0 : index
    %get3A_28 = vector.load %arg4[%get3A_26, %get3A_27] : memref<128x128xf32, #tpu.memory_space<vmem>>, vector<128x128xf32>
    %dot_general3A = arith.constant dense<0.000000e+00> : vector<400x128xf32>
    %dot_general3A_29 = tpu.matmul %div3A_22, %get3A_28, %dot_general3A {dimension_numbers = #tpu.dot_dimension_numbers<[1], [0], [0], [1], [0, 0, 1, 1], [], []>, transpose_lhs_hint = false} : vector<400x128xf32>, vector<128x128xf32>, vector<400x128xf32> -> vector<400x128xf32>
    %get3A_30 = arith.constant 0 : index
    %get3A_31 = arith.constant 0 : index
    %get3A_32 = vector.load %arg5[%get3A_30, %get3A_31] : memref<1x128xf32, #tpu.memory_space<vmem>>, vector<1x128xf32>
    %add3A_33 = vector.broadcast %get3A_32 : vector<1x128xf32> to vector<400x128xf32>
    %add3A_34 = arith.addf %dot_general3A_29, %add3A_33 : vector<400x128xf32>
    %get3A_35 = arith.constant 0 : index
    %get3A_36 = arith.constant 0 : index
    %get3A_37 = vector.load %arg6[%get3A_35, %get3A_36] : memref<128x128xf32, #tpu.memory_space<vmem>>, vector<128x128xf32>
    %dot_general3A_38 = arith.constant dense<0.000000e+00> : vector<400x128xf32>
    %dot_general3A_39 = tpu.matmul %get3A_25, %get3A_37, %dot_general3A_38 {dimension_numbers = #tpu.dot_dimension_numbers<[1], [0], [0], [1], [0, 0, 1, 1], [], []>, transpose_lhs_hint = false} : vector<400x128xf32>, vector<128x128xf32>, vector<400x128xf32> -> vector<400x128xf32>
    %add3A_40 = arith.addf %add3A_34, %dot_general3A_39 : vector<400x128xf32>
    %max3A_41 = arith.constant 0.000000e+00 : f32
    %max3A_42 = vector.broadcast %max3A_41 : f32 to vector<400x128xf32>
    %max3A_43 = arith.maximumf %add3A_40, %max3A_42 : vector<400x128xf32>
    %swap3A = arith.constant 0 : index
    %swap3A_44 = arith.constant 0 : index
    %swap3A_45 = vector.load %arg10[%swap3A, %swap3A_44] : memref<400x128xf32, #tpu.memory_space<vmem>>, vector<400x128xf32>
    tpu.vector_store %arg10[%swap3A, %swap3A_44], %max3A_43 {strides = array<i32>} : memref<400x128xf32, #tpu.memory_space<vmem>>, vector<400x128xf32>,
    %get3A_46 = arith.constant 0 : index
    %get3A_47 = arith.constant 0 : index
    %get3A_48 = vector.load %arg7[%get3A_46, %get3A_47] : memref<128x128xf32, #tpu.memory_space<vmem>>, vector<128x128xf32>
    %dot_general3A_49 = arith.constant dense<0.000000e+00> : vector<400x128xf32>
    %dot_general3A_50 = tpu.matmul %div3A_22, %get3A_48, %dot_general3A_49 {dimension_numbers = #tpu.dot_dimension_numbers<[1], [0], [0], [1], [0, 0, 1, 1], [], []>, transpose_lhs_hint = false} : vector<400x128xf32>, vector<128x128xf32>, vector<400x128xf32> -> vector<400x128xf32>
    %get3A_51 = arith.constant 0 : index
    %get3A_52 = arith.constant 0 : index
    %get3A_53 = vector.load %arg8[%get3A_51, %get3A_52] : memref<1x128xf32, #tpu.memory_space<vmem>>, vector<1x128xf32>
    %add3A_54 = vector.broadcast %get3A_53 : vector<1x128xf32> to vector<400x128xf32>
    %add3A_55 = arith.addf %dot_general3A_50, %add3A_54 : vector<400x128xf32>
    %get3A_56 = arith.constant 0 : index
    %get3A_57 = arith.constant 0 : index
    %get3A_58 = vector.load %arg9[%get3A_56, %get3A_57] : memref<128x128xf32, #tpu.memory_space<vmem>>, vector<128x128xf32>
    %dot_general3A_59 = arith.constant dense<0.000000e+00> : vector<400x128xf32>
    %dot_general3A_60 = tpu.matmul %get3A_25, %get3A_58, %dot_general3A_59 {dimension_numbers = #tpu.dot_dimension_numbers<[1], [0], [0], [1], [0, 0, 1, 1], [], []>, transpose_lhs_hint = false} : vector<400x128xf32>, vector<128x128xf32>, vector<400x128xf32> -> vector<400x128xf32>
    %add3A_61 = arith.addf %add3A_55, %dot_general3A_60 : vector<400x128xf32>
    %max3A_62 = arith.constant 0.000000e+00 : f32
    %max3A_63 = vector.broadcast %max3A_62 : f32 to vector<400x128xf32>
    %max3A_64 = arith.maximumf %add3A_61, %max3A_63 : vector<400x128xf32>
    %swap3A_65 = arith.constant 0 : index
    %swap3A_66 = arith.constant 0 : index
    %swap3A_67 = vector.load %arg11[%swap3A_65, %swap3A_66] : memref<400x128xf32, #tpu.memory_space<vmem>>, vector<400x128xf32>
    tpu.vector_store %arg11[%swap3A_65, %swap3A_66], %max3A_64 {strides = array<i32>} : memref<400x128xf32, #tpu.memory_space<vmem>>, vector<400x128xf32>,
    return
  }
  func.func @transform_0(%arg0: i32) -> (i32, i32, i32) {
    %c0_i32 = arith.constant 0 : i32
    %c0_i32_0 = arith.constant 0 : i32
    %c0_i32_1 = arith.constant 0 : i32
    return %c0_i32, %arg0, %c0_i32_0 : i32, i32, i32
  }
  func.func @transform_1(%arg0: i32) -> (i32, i32, i32) {
    %c0_i32 = arith.constant 0 : i32
    %c0_i32_0 = arith.constant 0 : i32
    %c0_i32_1 = arith.constant 0 : i32
    return %c0_i32, %arg0, %c0_i32_0 : i32, i32, i32
  }
  func.func @transform_2(%arg0: i32) -> (i32, i32) {
    %c0_i32 = arith.constant 0 : i32
    %c0_i32_0 = arith.constant 0 : i32
    return %arg0, %c0_i32 : i32, i32
  }
  func.func @transform_3(%arg0: i32) -> (i32, i32) {
    %c0_i32 = arith.constant 0 : i32
    %c0_i32_0 = arith.constant 0 : i32
    %c0_i32_1 = arith.constant 0 : i32
    return %c0_i32, %c0_i32_0 : i32, i32
  }
  func.func @transform_4(%arg0: i32) -> (i32, i32) {
    %c0_i32 = arith.constant 0 : i32
    %c0_i32_0 = arith.constant 0 : i32
    %c0_i32_1 = arith.constant 0 : i32
    return %c0_i32, %c0_i32_0 : i32, i32
  }
  func.func @transform_5(%arg0: i32) -> (i32, i32) {
    %c0_i32 = arith.constant 0 : i32
    %c0_i32_0 = arith.constant 0 : i32
    %c0_i32_1 = arith.constant 0 : i32
    return %c0_i32, %c0_i32_0 : i32, i32
  }
  func.func @transform_6(%arg0: i32) -> (i32, i32) {
    %c0_i32 = arith.constant 0 : i32
    %c0_i32_0 = arith.constant 0 : i32
    %c0_i32_1 = arith.constant 0 : i32
    return %c0_i32, %c0_i32_0 : i32, i32
  }
  func.func @transform_7(%arg0: i32) -> (i32, i32) {
    %c0_i32 = arith.constant 0 : i32
    %c0_i32_0 = arith.constant 0 : i32
    %c0_i32_1 = arith.constant 0 : i32
    return %c0_i32, %c0_i32_0 : i32, i32
  }
  func.func @transform_8(%arg0: i32) -> (i32, i32) {
    %c0_i32 = arith.constant 0 : i32
    %c0_i32_0 = arith.constant 0 : i32
    %c0_i32_1 = arith.constant 0 : i32
    return %c0_i32, %c0_i32_0 : i32, i32
  }
  func.func @transform_9(%arg0: i32) -> (i32, i32) {
    %c0_i32 = arith.constant 0 : i32
    %c0_i32_0 = arith.constant 0 : i32
    return %arg0, %c0_i32 : i32, i32
  }
  func.func @transform_10(%arg0: i32) -> (i32, i32) {
    %c0_i32 = arith.constant 0 : i32
    %c0_i32_0 = arith.constant 0 : i32
    return %arg0, %c0_i32 : i32, i32
  }
}

module attributes {stable_mosaic.version = 14 : i64} {
  func.func @_tc2_body(%arg0: i32, %arg1: memref<2x400x128xf32, #tpu.memory_space<vmem>>, %arg2: memref<2x400x128xf32, #tpu.memory_space<vmem>>, %arg3: memref<2x400x128xf32, #tpu.memory_space<vmem>>, %arg4: memref<400x128xf32, #tpu.memory_space<vmem>>, %arg5: memref<400x128xf32, #tpu.memory_space<vmem>>, %arg6: memref<128x128xf32, #tpu.memory_space<vmem>>, %arg7: memref<1x128xf32, #tpu.memory_space<vmem>>, %arg8: memref<128x128xf32, #tpu.memory_space<vmem>>, %arg9: memref<128x128xf32, #tpu.memory_space<vmem>>, %arg10: memref<1x128xf32, #tpu.memory_space<vmem>>, %arg11: memref<128x128xf32, #tpu.memory_space<vmem>>, %arg12: memref<128x128xf32, #tpu.memory_space<vmem>>, %arg13: memref<128x128xf32, #tpu.memory_space<vmem>>, %arg14: memref<1x128xf32, #tpu.memory_space<vmem>>, %arg15: memref<128x128xf32, #tpu.memory_space<vmem>>, %arg16: memref<1x128xf32, #tpu.memory_space<vmem>>, %arg17: memref<400x128xf32, #tpu.memory_space<vmem>>) attributes {dimension_semantics = [#tpu.dimension_semantics<arbitrary>], iteration_bounds = array<i64: 25>, scalar_prefetch = 0 : i64, scratch_operands = 0 : i64, tpu.core_type = #tpu.core_type<tc>, window_params = [{transform_indices = @transform_0, window_bounds = array<i64: 2, 400, 128>}, {transform_indices = @transform_1, window_bounds = array<i64: 2, 400, 128>}, {transform_indices = @transform_2, window_bounds = array<i64: 2, 400, 128>}, {transform_indices = @transform_3, window_bounds = array<i64: 400, 128>}, {transform_indices = @transform_4, window_bounds = array<i64: 400, 128>}, {pipeline_mode = #tpu.pipeline_mode<synchronous>, transform_indices = @transform_5, window_bounds = array<i64: 128, 128>}, {pipeline_mode = #tpu.pipeline_mode<synchronous>, transform_indices = @transform_6, window_bounds = array<i64: 1, 128>}, {pipeline_mode = #tpu.pipeline_mode<synchronous>, transform_indices = @transform_7, window_bounds = array<i64: 128, 128>}, {pipeline_mode = #tpu.pipeline_mode<synchronous>, transform_indices = @transform_8, window_bounds = array<i64: 128, 128>}, {pipeline_mode = #tpu.pipeline_mode<synchronous>, transform_indices = @transform_9, window_bounds = array<i64: 1, 128>}, {pipeline_mode = #tpu.pipeline_mode<synchronous>, transform_indices = @transform_10, window_bounds = array<i64: 128, 128>}, {pipeline_mode = #tpu.pipeline_mode<synchronous>, transform_indices = @transform_11, window_bounds = array<i64: 128, 128>}, {pipeline_mode = #tpu.pipeline_mode<synchronous>, transform_indices = @transform_12, window_bounds = array<i64: 128, 128>}, {pipeline_mode = #tpu.pipeline_mode<synchronous>, transform_indices = @transform_13, window_bounds = array<i64: 1, 128>}, {pipeline_mode = #tpu.pipeline_mode<synchronous>, transform_indices = @transform_14, window_bounds = array<i64: 128, 128>}, {pipeline_mode = #tpu.pipeline_mode<synchronous>, transform_indices = @transform_15, window_bounds = array<i64: 1, 128>}, {transform_indices = @transform_16, window_bounds = array<i64: 400, 128>}]} {
    %get3A = arith.constant 0 : index
    %get3A_0 = arith.constant 0 : index
    %get3A_1 = arith.constant 0 : index
    %get3A_2 = vector.load %arg3[%get3A, %get3A_0, %get3A_1] : memref<2x400x128xf32, #tpu.memory_space<vmem>>, vector<1x400x1xf32>
    %get3A_3 = vector.shape_cast %get3A_2 : vector<1x400x1xf32> to vector<400x1xf32>
    %get3A_4 = arith.constant 1 : index
    %get3A_5 = arith.constant 0 : index
    %get3A_6 = arith.constant 0 : index
    %get3A_7 = vector.load %arg3[%get3A_4, %get3A_5, %get3A_6] : memref<2x400x128xf32, #tpu.memory_space<vmem>>, vector<1x400x1xf32>
    %get3A_8 = vector.shape_cast %get3A_7 : vector<1x400x1xf32> to vector<400x1xf32>
    %add3A = arith.addf %get3A_3, %get3A_8 : vector<400x1xf32>
    %max3A = arith.constant 1.000000e+00 : f32
    %max3A_9 = vector.broadcast %max3A : f32 to vector<400x1xf32>
    %max3A_10 = arith.maximumf %add3A, %max3A_9 : vector<400x1xf32>
    %get3A_11 = arith.constant 0 : index
    %get3A_12 = arith.constant 0 : index
    %get3A_13 = arith.constant 0 : index
    %get3A_14 = vector.load %arg1[%get3A_11, %get3A_12, %get3A_13] : memref<2x400x128xf32, #tpu.memory_space<vmem>>, vector<1x400x128xf32>
    %get3A_15 = vector.shape_cast %get3A_14 : vector<1x400x128xf32> to vector<400x128xf32>
    %get3A_16 = arith.constant 1 : index
    %get3A_17 = arith.constant 0 : index
    %get3A_18 = arith.constant 0 : index
    %get3A_19 = vector.load %arg1[%get3A_16, %get3A_17, %get3A_18] : memref<2x400x128xf32, #tpu.memory_space<vmem>>, vector<1x400x128xf32>
    %get3A_20 = vector.shape_cast %get3A_19 : vector<1x400x128xf32> to vector<400x128xf32>
    %add3A_21 = arith.addf %get3A_15, %get3A_20 : vector<400x128xf32>
    %div3A = vector.broadcast %max3A_10 : vector<400x1xf32> to vector<400x128xf32>
    %div3A_22 = arith.divf %add3A_21, %div3A : vector<400x128xf32>
    %get3A_23 = arith.constant 0 : index
    %get3A_24 = arith.constant 0 : index
    %get3A_25 = arith.constant 0 : index
    %get3A_26 = vector.load %arg2[%get3A_23, %get3A_24, %get3A_25] : memref<2x400x128xf32, #tpu.memory_space<vmem>>, vector<1x400x128xf32>
    %get3A_27 = vector.shape_cast %get3A_26 : vector<1x400x128xf32> to vector<400x128xf32>
    %get3A_28 = arith.constant 1 : index
    %get3A_29 = arith.constant 0 : index
    %get3A_30 = arith.constant 0 : index
    %get3A_31 = vector.load %arg2[%get3A_28, %get3A_29, %get3A_30] : memref<2x400x128xf32, #tpu.memory_space<vmem>>, vector<1x400x128xf32>
    %get3A_32 = vector.shape_cast %get3A_31 : vector<1x400x128xf32> to vector<400x128xf32>
    %add3A_33 = arith.addf %get3A_27, %get3A_32 : vector<400x128xf32>
    %div3A_34 = vector.broadcast %max3A_10 : vector<400x1xf32> to vector<400x128xf32>
    %div3A_35 = arith.divf %add3A_33, %div3A_34 : vector<400x128xf32>
    %get3A_36 = arith.constant 0 : index
    %get3A_37 = arith.constant 0 : index
    %get3A_38 = vector.load %arg6[%get3A_36, %get3A_37] : memref<128x128xf32, #tpu.memory_space<vmem>>, vector<128x128xf32>
    %dot_general3A = arith.constant dense<0.000000e+00> : vector<400x128xf32>
    %dot_general3A_39 = tpu.matmul %div3A_22, %get3A_38, %dot_general3A {dimension_numbers = #tpu.dot_dimension_numbers<[1], [0], [0], [1], [0, 0, 1, 1], [], []>, transpose_lhs_hint = false} : vector<400x128xf32>, vector<128x128xf32>, vector<400x128xf32> -> vector<400x128xf32>
    %get3A_40 = arith.constant 0 : index
    %get3A_41 = arith.constant 0 : index
    %get3A_42 = vector.load %arg7[%get3A_40, %get3A_41] : memref<1x128xf32, #tpu.memory_space<vmem>>, vector<1x128xf32>
    %add3A_43 = vector.broadcast %get3A_42 : vector<1x128xf32> to vector<400x128xf32>
    %add3A_44 = arith.addf %dot_general3A_39, %add3A_43 : vector<400x128xf32>
    %get3A_45 = arith.constant 0 : index
    %get3A_46 = arith.constant 0 : index
    %get3A_47 = vector.load %arg4[%get3A_45, %get3A_46] : memref<400x128xf32, #tpu.memory_space<vmem>>, vector<400x128xf32>
    %get3A_48 = arith.constant 0 : index
    %get3A_49 = arith.constant 0 : index
    %get3A_50 = vector.load %arg8[%get3A_48, %get3A_49] : memref<128x128xf32, #tpu.memory_space<vmem>>, vector<128x128xf32>
    %dot_general3A_51 = arith.constant dense<0.000000e+00> : vector<400x128xf32>
    %dot_general3A_52 = tpu.matmul %get3A_47, %get3A_50, %dot_general3A_51 {dimension_numbers = #tpu.dot_dimension_numbers<[1], [0], [0], [1], [0, 0, 1, 1], [], []>, transpose_lhs_hint = false} : vector<400x128xf32>, vector<128x128xf32>, vector<400x128xf32> -> vector<400x128xf32>
    %add3A_53 = arith.addf %add3A_44, %dot_general3A_52 : vector<400x128xf32>
    %get3A_54 = arith.constant 0 : index
    %get3A_55 = arith.constant 0 : index
    %get3A_56 = vector.load %arg9[%get3A_54, %get3A_55] : memref<128x128xf32, #tpu.memory_space<vmem>>, vector<128x128xf32>
    %dot_general3A_57 = arith.constant dense<0.000000e+00> : vector<400x128xf32>
    %dot_general3A_58 = tpu.matmul %div3A_35, %get3A_56, %dot_general3A_57 {dimension_numbers = #tpu.dot_dimension_numbers<[1], [0], [0], [1], [0, 0, 1, 1], [], []>, transpose_lhs_hint = false} : vector<400x128xf32>, vector<128x128xf32>, vector<400x128xf32> -> vector<400x128xf32>
    %get3A_59 = arith.constant 0 : index
    %get3A_60 = arith.constant 0 : index
    %get3A_61 = vector.load %arg10[%get3A_59, %get3A_60] : memref<1x128xf32, #tpu.memory_space<vmem>>, vector<1x128xf32>
    %add3A_62 = vector.broadcast %get3A_61 : vector<1x128xf32> to vector<400x128xf32>
    %add3A_63 = arith.addf %dot_general3A_58, %add3A_62 : vector<400x128xf32>
    %get3A_64 = arith.constant 0 : index
    %get3A_65 = arith.constant 0 : index
    %get3A_66 = vector.load %arg5[%get3A_64, %get3A_65] : memref<400x128xf32, #tpu.memory_space<vmem>>, vector<400x128xf32>
    %get3A_67 = arith.constant 0 : index
    %get3A_68 = arith.constant 0 : index
    %get3A_69 = vector.load %arg11[%get3A_67, %get3A_68] : memref<128x128xf32, #tpu.memory_space<vmem>>, vector<128x128xf32>
    %dot_general3A_70 = arith.constant dense<0.000000e+00> : vector<400x128xf32>
    %dot_general3A_71 = tpu.matmul %get3A_66, %get3A_69, %dot_general3A_70 {dimension_numbers = #tpu.dot_dimension_numbers<[1], [0], [0], [1], [0, 0, 1, 1], [], []>, transpose_lhs_hint = false} : vector<400x128xf32>, vector<128x128xf32>, vector<400x128xf32> -> vector<400x128xf32>
    %add3A_72 = arith.addf %add3A_63, %dot_general3A_71 : vector<400x128xf32>
    %get3A_73 = arith.constant 0 : index
    %get3A_74 = arith.constant 0 : index
    %get3A_75 = vector.load %arg12[%get3A_73, %get3A_74] : memref<128x128xf32, #tpu.memory_space<vmem>>, vector<128x128xf32>
    %dot_general3A_76 = arith.constant dense<0.000000e+00> : vector<400x128xf32>
    %dot_general3A_77 = tpu.matmul %add3A_53, %get3A_75, %dot_general3A_76 {dimension_numbers = #tpu.dot_dimension_numbers<[1], [0], [0], [1], [0, 0, 1, 1], [], []>, transpose_lhs_hint = false} : vector<400x128xf32>, vector<128x128xf32>, vector<400x128xf32> -> vector<400x128xf32>
    %get3A_78 = arith.constant 0 : index
    %get3A_79 = arith.constant 0 : index
    %get3A_80 = vector.load %arg13[%get3A_78, %get3A_79] : memref<128x128xf32, #tpu.memory_space<vmem>>, vector<128x128xf32>
    %dot_general3A_81 = arith.constant dense<0.000000e+00> : vector<400x128xf32>
    %dot_general3A_82 = tpu.matmul %add3A_72, %get3A_80, %dot_general3A_81 {dimension_numbers = #tpu.dot_dimension_numbers<[1], [0], [0], [1], [0, 0, 1, 1], [], []>, transpose_lhs_hint = false} : vector<400x128xf32>, vector<128x128xf32>, vector<400x128xf32> -> vector<400x128xf32>
    %add3A_83 = arith.addf %dot_general3A_77, %dot_general3A_82 : vector<400x128xf32>
    %get3A_84 = arith.constant 0 : index
    %get3A_85 = arith.constant 0 : index
    %get3A_86 = vector.load %arg14[%get3A_84, %get3A_85] : memref<1x128xf32, #tpu.memory_space<vmem>>, vector<1x128xf32>
    %add3A_87 = vector.broadcast %get3A_86 : vector<1x128xf32> to vector<400x128xf32>
    %add3A_88 = arith.addf %add3A_83, %add3A_87 : vector<400x128xf32>
    %max3A_89 = arith.constant 0.000000e+00 : f32
    %max3A_90 = vector.broadcast %max3A_89 : f32 to vector<400x128xf32>
    %max3A_91 = arith.maximumf %add3A_88, %max3A_90 : vector<400x128xf32>
    %get3A_92 = arith.constant 0 : index
    %get3A_93 = arith.constant 0 : index
    %get3A_94 = vector.load %arg15[%get3A_92, %get3A_93] : memref<128x128xf32, #tpu.memory_space<vmem>>, vector<128x128xf32>
    %dot_general3A_95 = arith.constant dense<0.000000e+00> : vector<400x128xf32>
    %dot_general3A_96 = tpu.matmul %max3A_91, %get3A_94, %dot_general3A_95 {dimension_numbers = #tpu.dot_dimension_numbers<[1], [0], [0], [1], [0, 0, 1, 1], [], []>, transpose_lhs_hint = false} : vector<400x128xf32>, vector<128x128xf32>, vector<400x128xf32> -> vector<400x128xf32>
    %get3A_97 = arith.constant 0 : index
    %get3A_98 = arith.constant 0 : index
    %get3A_99 = vector.load %arg16[%get3A_97, %get3A_98] : memref<1x128xf32, #tpu.memory_space<vmem>>, vector<1x128xf32>
    %add3A_100 = vector.broadcast %get3A_99 : vector<1x128xf32> to vector<400x128xf32>
    %add3A_101 = arith.addf %dot_general3A_96, %add3A_100 : vector<400x128xf32>
    %swap3A = arith.constant 0 : index
    %swap3A_102 = arith.constant 0 : index
    %swap3A_103 = vector.load %arg17[%swap3A, %swap3A_102] : memref<400x128xf32, #tpu.memory_space<vmem>>, vector<400x128xf32>
    tpu.vector_store %arg17[%swap3A, %swap3A_102], %add3A_101 {strides = array<i32>} : memref<400x128xf32, #tpu.memory_space<vmem>>, vector<400x128xf32>,
    return
  }
  func.func @transform_0(%arg0: i32) -> (i32, i32, i32) {
    %c0_i32 = arith.constant 0 : i32
    %c0_i32_0 = arith.constant 0 : i32
    %c0_i32_1 = arith.constant 0 : i32
    return %c0_i32, %arg0, %c0_i32_0 : i32, i32, i32
  }
  func.func @transform_1(%arg0: i32) -> (i32, i32, i32) {
    %c0_i32 = arith.constant 0 : i32
    %c0_i32_0 = arith.constant 0 : i32
    %c0_i32_1 = arith.constant 0 : i32
    return %c0_i32, %arg0, %c0_i32_0 : i32, i32, i32
  }
  func.func @transform_2(%arg0: i32) -> (i32, i32, i32) {
    %c0_i32 = arith.constant 0 : i32
    %c0_i32_0 = arith.constant 0 : i32
    %c0_i32_1 = arith.constant 0 : i32
    return %c0_i32, %arg0, %c0_i32_0 : i32, i32, i32
  }
  func.func @transform_3(%arg0: i32) -> (i32, i32) {
    %c0_i32 = arith.constant 0 : i32
    %c0_i32_0 = arith.constant 0 : i32
    return %arg0, %c0_i32 : i32, i32
  }
  func.func @transform_4(%arg0: i32) -> (i32, i32) {
    %c0_i32 = arith.constant 0 : i32
    %c0_i32_0 = arith.constant 0 : i32
    return %arg0, %c0_i32 : i32, i32
  }
  func.func @transform_5(%arg0: i32) -> (i32, i32) {
    %c0_i32 = arith.constant 0 : i32
    %c0_i32_0 = arith.constant 0 : i32
    %c0_i32_1 = arith.constant 0 : i32
    return %c0_i32, %c0_i32_0 : i32, i32
  }
  func.func @transform_6(%arg0: i32) -> (i32, i32) {
    %c0_i32 = arith.constant 0 : i32
    %c0_i32_0 = arith.constant 0 : i32
    %c0_i32_1 = arith.constant 0 : i32
    return %c0_i32, %c0_i32_0 : i32, i32
  }
  func.func @transform_7(%arg0: i32) -> (i32, i32) {
    %c0_i32 = arith.constant 0 : i32
    %c0_i32_0 = arith.constant 0 : i32
    %c0_i32_1 = arith.constant 0 : i32
    return %c0_i32, %c0_i32_0 : i32, i32
  }
  func.func @transform_8(%arg0: i32) -> (i32, i32) {
    %c0_i32 = arith.constant 0 : i32
    %c0_i32_0 = arith.constant 0 : i32
    %c0_i32_1 = arith.constant 0 : i32
    return %c0_i32, %c0_i32_0 : i32, i32
  }
  func.func @transform_9(%arg0: i32) -> (i32, i32) {
    %c0_i32 = arith.constant 0 : i32
    %c0_i32_0 = arith.constant 0 : i32
    %c0_i32_1 = arith.constant 0 : i32
    return %c0_i32, %c0_i32_0 : i32, i32
  }
  func.func @transform_10(%arg0: i32) -> (i32, i32) {
    %c0_i32 = arith.constant 0 : i32
    %c0_i32_0 = arith.constant 0 : i32
    %c0_i32_1 = arith.constant 0 : i32
    return %c0_i32, %c0_i32_0 : i32, i32
  }
  func.func @transform_11(%arg0: i32) -> (i32, i32) {
    %c0_i32 = arith.constant 0 : i32
    %c0_i32_0 = arith.constant 0 : i32
    %c0_i32_1 = arith.constant 0 : i32
    return %c0_i32, %c0_i32_0 : i32, i32
  }
  func.func @transform_12(%arg0: i32) -> (i32, i32) {
    %c0_i32 = arith.constant 0 : i32
    %c0_i32_0 = arith.constant 0 : i32
    %c0_i32_1 = arith.constant 0 : i32
    return %c0_i32, %c0_i32_0 : i32, i32
  }
  func.func @transform_13(%arg0: i32) -> (i32, i32) {
    %c0_i32 = arith.constant 0 : i32
    %c0_i32_0 = arith.constant 0 : i32
    %c0_i32_1 = arith.constant 0 : i32
    return %c0_i32, %c0_i32_0 : i32, i32
  }
  func.func @transform_14(%arg0: i32) -> (i32, i32) {
    %c0_i32 = arith.constant 0 : i32
    %c0_i32_0 = arith.constant 0 : i32
    %c0_i32_1 = arith.constant 0 : i32
    return %c0_i32, %c0_i32_0 : i32, i32
  }
  func.func @transform_15(%arg0: i32) -> (i32, i32) {
    %c0_i32 = arith.constant 0 : i32
    %c0_i32_0 = arith.constant 0 : i32
    %c0_i32_1 = arith.constant 0 : i32
    return %c0_i32, %c0_i32_0 : i32, i32
  }
  func.func @transform_16(%arg0: i32) -> (i32, i32) {
    %c0_i32 = arith.constant 0 : i32
    %c0_i32_0 = arith.constant 0 : i32
    return %arg0, %c0_i32 : i32, i32
  }
}

</mosaic_0001>

<sc_bundles>
// kernel: kernel.11.cloned.1.call-start
scs
__scs_entry_jumppad:
0x0: {  	(pc) =	sbr.rel $0x88, $3  }
0x1: {  	(tag) =	ssettag $0x0;
	lr =	simm.s32 $0x1  }
0x2: {  	[smem:$0x3F8F] =	sst lr;
	_ =	strace $0xD0000000  }
0x3: {  	_ = 	snop  }
0x4: {  	_ = 	snop  }
0x5: {  	_ = 	snop  }
0x6: {  	_ = 	snop  }
0x7: {  	_ = 	snop  }
__scs_overlays_trampoline_lowered:
0x8: {  	[smem:$0x3F9E] =	sst s0  }
0x9: {  	[smem:$0x3F9F] =	sst s1  }
0xa: {  	[smem:$0x3FA0] =	sst s2  }
0xb: {  	[smem:$0x3FA1] =	sst s3  }
0xc: {  	[smem:$0x3FA2] =	sst s4  }
0xd: {  	[smem:$0x3FA3] =	sst s5  }
0xe: {  	[smem:$0x3FA4] =	sst s6  }
0xf: {  	[smem:$0x3FA5] =	sst s7  }
0x10: {  	[smem:$0x3FA6] =	sst s8  }
0x11: {  	[smem:$0x3FA7] =	sst s9;
	s0 =	simm.s32 @!p0 $0x0  }
0x12: {  	s1 =	sld [smem:$0x3F8D];
	s0 =	simm.s32 @p0 $0x1  }
0x13: {  	[smem:$0x3FA8] =	sst s0;
	s0 =	simm.s32 @!p1 $0x0  }
0x14: {  	s2 =	sld [smem:$0x3F8C];
	s0 =	simm.s32 @p1 $0x1  }
0x15: {  	[smem:$0x3FA9] =	sst s0;
	s0 =	simm.s32 @!p2 $0x0  }
0x16: {  	s3 =	sld [smem:$0x3FDB];
	s0 =	simm.s32 @p2 $0x1  }
0x17: {  	s4 =	simm.s32 $0x1BF5;
	[smem:$0x3FAB] =	sst s0  }
0x18: {  	s0 =	sld [smem:$0x3F8E];
	_ =	swait.ge [sflag:s4], $0x0  }
0x19: {  	s7 =	sld [smem:$0x3F8F]  }
0x1a: {  	s8 =	sadd.s32 $0xFFFFE003, lr  }
0x1b: {  	s9 =	sadd.s32 $0xFFFFFEF7, lr;
	s5 =	simm.s32 $0xFFFFFFFF;
	p2 =	slt.u32 s8, $0xFFFFF086  }
0x1c: {  	p1 =	slt.u32 s9, $0xF7A;
	s5 =	simm.s32 @!p2 $0x0  }
0x1d: {  	s5 =	simm.s32 @p1 $0x1;
	p0 =	seq.s32 s7, s2  }
0x1e: {  	s7 =	smul.u32 @!p0 $0xF7A, s2;
	p2 =	seq.s32 @!p0 s5, $0x0  }
0x1f: {  	s9 =	smul.u32 $0xF7A, s1;
	s8 =	simm.s32 @!p0 $0x1BF5;
	p2 =	por !p2, p0  }
0x20: {  	[sflag:s8] =	ssyncset.s32 @!p0 $0xFFFFF086;
	s6 =	sadd.s32 @!p0 s3, s7;
	s7 =	simm.s32 @!p0 $0x108  }
0x21: {  	s3 =	sadd.s32 s3, s9;
	s6 =	sadd.s32 @!p0 $0x88, s6;
	s7 =	simm.s32 @p2 $0x1082  }
0x22: {  	[simem:s7], [sflag:s8] =	dma.local @!p0 [hbm:s6], $0xF7A  }
0x23: {  	s9 =	sor.u32 $0xD0000000, s2;
	s6 =	simm.s32 $0x108;
	_ =	swait.ge @!p0 [sflag:s8], $0x0  }
0x24: {  	s3 =	sadd.s32 $0x88, s3;
	s6 =	simm.s32 @!p1 $0x1082;
	[sflag:s4] =	ssyncset.s32 $0xFFFFF086  }
0x25: {  	[simem:s6], [sflag:s4] =	dma.local [hbm:s3], $0xF7A  }
0x26: {  	[smem:$0x3F8F] =	sst s1;
	(tag) =	ssettag s2;
	_ =	strace s9  }
0x27: {  	s1 =	sld [smem:$0x3F9F]  }
0x28: {  	s2 =	sld [smem:$0x3FA0]  }
0x29: {  	s4 =	sld [smem:$0x3FA2]  }
0x2a: {  	p0 =	seq.s32 s5, $0x0;
	s5 =	sld [smem:$0x3FA3]  }
0x2b: {  	s6 =	sld [smem:$0x3FA4]  }
0x2c: {  	s7 =	sld [smem:$0x3FA5]  }
0x2d: {  	s3 =	simm.s32 $0x108;
	s8 =	sld [smem:$0x3FA6]  }
0x2e: {  	s3 =	simm.s32 @!p0 $0x1082;
	s9 =	sld [smem:$0x3FA7]  }
0x2f: {  	lr =	sadd.s32 s0, s3;
	s0 =	sld [smem:$0x3F9E]  }
0x30: {  	s3 =	sld [smem:$0x3FA1]  }
0x31: {  	[smem:$0x3FAA] =	sst s10  }
0x32: {  	s10 =	sld [smem:$0x3FA8];
	_ =	sdelay $0x3  }
0x33: {  	p0 =	seq.s32 s10, $0x1;
	s10 =	sld [smem:$0x3FAA];
	_ =	sdelay $0x3  }
0x34: {  	[smem:$0x3FAA] =	sst s10  }
0x35: {  	s10 =	sld [smem:$0x3FA9];
	_ =	sdelay $0x3  }
0x36: {  	p1 =	seq.s32 s10, $0x1;
	s10 =	sld [smem:$0x3FAA];
	_ =	sdelay $0x3  }
0x37: {  	[smem:$0x3FAA] =	sst s10  }
0x38: {  	s10 =	sld [smem:$0x3FAB]  }
0x39: {  	_ = 	snop;
	(pc) =	sbr.ind lr, $3  }
0x3a: {  	_ = 	snop  }
0x3b: {  	_ = 	snop  }
0x3c: {  	p2 =	seq.s32 s10, $0x1;
	s10 =	sld [smem:$0x3FAA]  }
0x3d: {  	_ =	shalt  }
0x3e: {  	_ =	shalt  }
0x3f: {  	_ =	shalt  }
0x40: {  	_ =	shalt  }
0x41: {  	_ =	shalt  }
0x42: {  	_ =	shalt  }
0x43: {  	_ =	shalt  }
0x44: {  	_ =	shalt  }
0x45: {  	_ =	shalt  }
0x46: {  	_ =	shalt  }
0x47: {  	_ =	shalt  }
0x48: {  	_ =	shalt  }
0x49: {  	_ =	shalt  }
0x4a: {  	_ =	shalt  }
0x4b: {  	_ =	shalt  }
0x4c: {  	_ =	shalt  }
0x4d: {  	_ =	shalt  }
0x4e: {  	_ =	shalt  }
0x4f: {  	_ =	shalt  }
0x50: {  	_ =	shalt  }
0x51: {  	_ =	shalt  }
0x52: {  	_ =	shalt  }
0x53: {  	_ =	shalt  }
0x54: {  	_ =	shalt  }
0x55: {  	_ =	shalt  }
0x56: {  	_ =	shalt  }
0x57: {  	_ =	shalt  }
0x58: {  	_ =	shalt  }
0x59: {  	_ =	shalt  }
0x5a: {  	_ =	shalt  }
0x5b: {  	_ =	shalt  }
0x5c: {  	_ =	shalt  }
0x5d: {  	_ =	shalt  }
0x5e: {  	_ =	shalt  }
0x5f: {  	_ =	shalt  }
0x60: {  	_ =	shalt  }
0x61: {  	_ =	shalt  }
0x62: {  	_ =	shalt  }
0x63: {  	_ =	shalt  }
0x64: {  	_ =	shalt  }
0x65: {  	_ =	shalt  }
0x66: {  	_ =	shalt  }
0x67: {  	_ =	shalt  }
0x68: {  	_ =	shalt  }
0x69: {  	_ =	shalt  }
0x6a: {  	_ =	shalt  }
0x6b: {  	_ =	shalt  }
0x6c: {  	_ =	shalt  }
0x6d: {  	_ =	shalt  }
0x6e: {  	_ =	shalt  }
0x6f: {  	_ =	shalt  }
0x70: {  	_ =	shalt  }
0x71: {  	_ =	shalt  }
0x72: {  	_ =	shalt  }
0x73: {  	_ =	shalt  }
0x74: {  	_ =	shalt  }
0x75: {  	_ =	shalt  }
0x76: {  	_ =	shalt  }
0x77: {  	_ =	shalt  }
0x78: {  	_ =	shalt  }
0x79: {  	_ =	shalt  }
0x7a: {  	_ =	shalt  }
0x7b: {  	_ =	shalt  }
0x7c: {  	_ =	shalt  }
0x7d: {  	_ =	shalt  }
0x7e: {  	_ =	shalt  }
0x7f: {  	_ =	shalt  }
0x80: {  	_ =	shalt  }
0x81: {  	_ =	shalt  }
0x82: {  	_ =	shalt  }
0x83: {  	_ =	shalt  }
0x84: {  	_ =	shalt  }
0x85: {  	_ =	shalt  }
0x86: {  	_ =	shalt  }
0x87: {  	_ =	shalt  }
.Lfunc_end0:
.L_simem_size_0:
called_computation.1_lowered:
.L_overlay_start_0:
0x88: {  	s2 =	sld [smem:$0x3FD9]  }
0x89: {  	s3 =	sld [smem:$0x3FFE];
	_ =	sdelay $0x1  }
0x8a: {  	s1 =	srdreg.scid  }
0x8b: {  	s0 =	sand.u32 $0x1, s1  }
0x8c: {  	s17 =	sshll.u32 s0, $0xA;
	s2 =	sadd.s32 s3, s2  }
0x8d: {  	s2 =	sadd.s32 s2, s17  }
0x8e: {  	[smem:$0x3FB6] =	sst s2  }
0x8f: {  	_ = 	snop  }
0x90: {  	(tm) =	ssettm $0x1  }
0x91: {  	s18 =	sld [smem:$0x3FFB];
	_ =	sdelay $0x3  }
0x92: {  	_ =	strace s18  }
0x93: {  	s2 =	sld [smem:$0x3FFC];
	_ =	sdelay $0x3  }
0x94: {  	_ =	strace s2  }
0x95: {  	s2 =	sld [smem:$0x3FFD];
	_ =	sdelay $0x3  }
0x96: {  	_ =	strace s2  }
0x97: {  	_ =	strace $0x8FFFFFFF  }
0x98: {  	s19 =	sld [smem:$0x3FDB];
	_ =	sdelay $0x1  }
0x99: {  	s20 =	simm.s32 $_scs_section_size  }
0x9a: {  	s4 =	simm.s32 $_size__tile_overlayer_lowered;
	s5 =	simm.s32 $_tile_overlayer_lowered  }
0x9b: {  	s6 =	simm.s32 $0x1BFF;
	s21 =	sshll.u32 s5, $0x1;
	s3 =	sadd.s32 s20, s19  }
0x9c: {  	s22 =	simm.s32 $0x0;
	s4 =	sshll.u32 s4, $0x1;
	s5 =	sadd.s32 s21, s3  }
0x9d: {  	[timem:s22], [sflag:s6] =	dma.local [hbm:s5], s4  }
0x9e: {  	_ =	swait.ge [sflag:s6], s4  }
0x9f: {  	s4 =	ssub.s32 $0x0, s4;
	[sflag:s6] =	ssyncset.done $0x0  }
0xa0: {  	[sflag:s6] =	ssyncadd.s32 s4;
	_ =	sdelay $0x1  }
0xa1: {  	s23 =	simm.s32 $0x1B8B  }
0xa2: {  	_ =	swait.ge [sflag:s23], $0x1  }
0xa3: {  	[sflag:s23] =	ssyncset.done $0x0  }
0xa4: {  	[sflag:s23] =	ssyncadd.s32 $0xFFFFFFFF  }
0xa5: {  	s4 =	sld [smem:$0x0]  }
0xa6: {  	s5 =	sand.u32 $0xFFFFFFFE, s1  }
0xa7: {  	p0 =	sne.s32 s1, s5  }
0xa8: {  	s5 =	sshll.u32 @p0 s5, $0xE  }
0xa9: {  	s5 =	sadd.s32 @p0 $0x11B8D, s5;
	s6 =	sshll.u32 @p0 s4, $0x11  }
0xaa: {  	s5 =	sor.u32 @p0 s6, s5  }
0xab: {  	[sflag:s5] =	ssyncadd.remote.s32 @p0 $0x1;
	_ =	sdelay $0x1  }
0xac: {  	s5 =	simm.s32 @p0 $0x1B8D  }
0xad: {  	_ =	swait.eq @p0 [sflag:s5], $0x1  }
0xae: {  	[sflag:s5] =	ssyncadd.s32 @p0 $0xFFFFFFFF  }
0xaf: {  	s6 =	sshll.u32 @!p0 s1, $0xE  }
0xb0: {  	s6 =	sor.u32 @!p0 $0x4000, s6;
	s5 =	simm.s32 @!p0 $0x1B8D  }
0xb1: {  	s4 =	sshll.u32 @!p0 s4, $0x11;
	s6 =	sadd.s32 @!p0 $0x11B8D, s6;
	_ =	swait.eq @!p0 [sflag:s5], $0x1  }
0xb2: {  	s4 =	sor.u32 @!p0 s4, s6;
	[sflag:s5] =	ssyncadd.s32 @!p0 $0xFFFFFFFF  }
0xb3: {  	s25 =	simm.s32 $0x1B8E;
	s24 =	sld [smem:$0x3FFE];
	[sflag:s4] =	ssyncadd.remote.s32 @!p0 $0x1  }
0xb4: {  	s26 =	simm.s32 $execute0_lowered;
	[smem:$0x3FD2] =	sst s25  }
0xb5: {  	s5 =	sshll.u32 s26, $0x1;
	_ =	strace $0x80000049;
	[dreg:$0x1] =	wrdreg $0xFFFFFFFF  }
0xb6: {  	s28 =	simm.s32 $_size_execute0_lowered;
	s3 =	sadd.s32 s3, s5;
	[dreg:$0x0] =	wrdreg $0x0  }
0xb7: {  	s5 =	sshll.u32 s28, $0x1;
	[dreg:$0x2] =	wrdreg s3  }
0xb8: {  	[dreg:$0x3] =	wrdreg s5  }
0xb9: {  	[dreg:$0x4] =	wrdreg $0xC0  }
0xba: {  	_ =	task [dreg:s22], $0x5FFFF  }
0xbb: {  	[dreg:$0x1] =	wrdreg $0xFFFFFFFF  }
0xbc: {  	[dreg:$0x0] =	wrdreg $0x60  }
0xbd: {  	[dreg:$0x2] =	wrdreg s24  }
0xbe: {  	[dreg:$0x3] =	wrdreg $0x40800  }
0xbf: {  	[dreg:$0x4] =	wrdreg $0xA  }
0xc0: {  	_ =	task.clear_ibuf [dreg:s22], $0x5FFFF;
	_ =	strace $0x90000049  }
0xc1: {  	s29 =	simm.s32 $0xA;
	_ =	strace $0x8000004B  }
0xc2: {  	_ =	swait.ge [sflag:s29], $0x1  }
0xc3: {  	[sflag:s29] =	ssyncadd.s32 $0xFFFFFFFF  }
0xc4: {  	_ =	strace $0x9000004B  }
0xc5: {  	_ =	sfence  }
0xc6: {  	s30 =	sld [smem:$0x0];
	_ =	sdelay $0x2  }
0xc7: {  	s31 =	sshll.u32 s1, $0xD;
	s1 =	sshrl.u32 s1, $0x2  }
0xc8: {  	s4 =	sand.u32 $0x4000, s31;
	s1 =	sadd.s32 s1, s30  }
0xc9: {  	s0 =	sor.u32 s4, s0;
	s1 =	sshll.u32 s1, $0x11  }
0xca: {  	s0 =	sor.u32 s1, s0  }
0xcb: {  	s0 =	sadd.s32 $0x8F2B, s0  }
0xcc: {  	[sflag:s0] =	ssyncadd.remote.s32 $0x1  }
0xcd: {  	_ =	sfence.sel $0xFFFF  }
0xce: {  	[dreg:$0x0] =	wrdreg $0xFFFFFFFF;
	(pc) =	sbr.abs _section_cstart, $3  }
0xcf: {  	[dreg:$0x1] =	wrdreg $0xFFFFFFFF  }
0xd0: {  	_ =	task.clear_ibuf [dreg:s22], $0x2FFFF;
	_ =	strace $0x9FFFFFFF  }
0xd1: {  	(tm) =	ssettm $0x7FFFFFFF  }
tec
execute0_lowered:
.L_overlay_start_1:
0x0: {  	(tag) =	ssettag $0x1  }
0x1: {  	s6 =	rddreg [dreg:$0x0]  }
0x2: {  	s2 =	rddreg [dreg:$0x1]  }
0x3: {  	s0 =	rddreg [dreg:$0x2];
	s1 =	stileid.u32  }
0x4: {  	s5 =	srdreg.scid;
	s3 =	simm.s32 $0x0;
	s4 =	smul.u32 $0x9E0, s1  }
0x5: {  	s13 =	simm.s32 $0x0;
	s7 =	sand.u32 $0x1, s5;
	s29 =	smul.u32 $0x2780, s1  }
0x6: {  	[smem:$0x7FF] =	sst s3;
	s10 =	smul.u32 $0x4F000, s1;
	s5 =	sadd.s32 $0x5F200, s6  }
0x7: {  	s31 =	sshll.u32 s1, $0x6;
	s8 =	smul.u32 $0x27800, s7;
	_ =	strace $0x8000004A  }
0x8: {  	s30 =	ssub.s32 $0x2, s7;
	s12 =	smul.u32 $0x4F0, s7;
	s9 =	sadd.s32 s4, s6  }
0x9: {  	s4 =	sadd.s32 $0xDA00, s6;
	s11 =	sshrl.u32 s30, $0x1;
	s10 =	sshrl.u32 s10, $0x2  }
0xa: {  	s8 =	sadd.s32 s29, s8;
	s11 =	ssub.s32 s30, s11;
	s10 =	sadd.s32 s10, s2  }
0xb: {  	s9 =	sadd.s32 s12, s9;
	s12 =	simm.s32 $0x80;
	s8 =	sadd.s32 s8, s6  }
0xc: {  	s6 =	sor.u32 $0x1C01, s31;
	s9 =	sadd.s32 $0x3C00, s9;
	s10 =	sshrl.u32 s10, $0x3  }
0xd: {  	s7 =	sadd.s32 $0x5FA00, s8;
	s8 =	smax.u32 s11, $0x1;
	s11 =	simm.s32 $0x1  }
.LBB2_1:
0xe: {  	[spmem:s10], [sflag:s6] =	dma.local [hbm:s4], $0x2780  }
0xf: {  	_ =	swait.ge [sflag:s11], $0x2780  }
0x10: {  	[sflag:s11] =	ssyncset.done $0x0  }
0x11: {  	[sflag:s11] =	ssyncadd.s32 $0xFFFFD880  }
0x12: {  	[tilespmem:s12], [sflag:$0x1] =	stream.linear.gather [hbm4b:s5+s3], $0x4000, $0x38;
	[tilespmem:$0x17C80] =	vst v63  }
0x13: {  	_ =	swait.ge [sflag:s11], $0x4000  }
0x14: {  	[sflag:s11] =	ssyncset.done $0x0  }
0x15: {  	[sflag:s11] =	ssyncadd.s32 $0xFFFFC000  }
0x16: {  	s14 =	sadd.s32 $0x0, s9;
	[bflag:$0x0] =	sbarrier.arrive $0xFFFF  }
0x17: {  	[tilespmem:s3], [sflag:$0x1] =	stream.linear.gather [hbm4b:s14+s3], $0x80, $0x38;
	[tilespmem:$0x17C80] =	vst v63  }
0x18: {  	_ =	swait.ge [sflag:s11], $0x80  }
0x19: {  	[sflag:s11] =	ssyncset.done $0x0  }
0x1a: {  	[sflag:s11] =	ssyncadd.s32 $0xFFFFFF80  }
0x1b: {  	[spmem:s2] =	stream.indirect.scatter.add.f32 [tilespmem:s12], [sflag:$0x1], $0x80, s3, s12, $0xb8;
	[tilespmem:$0x17C80] =	vst v63  }
0x1c: {  	_ =	swait.ge [sflag:s11], $0x4000  }
0x1d: {  	s15 =	simm.s32 $0x20;
	s14 =	simm.s32 $0x10;
	[sflag:s11] =	ssyncset.done $0x0  }
.LBB2_2:
0x1e: {  	s16 =	sadd.s32 s14, s9  }
0x1f: {  	[sflag:s11] =	ssyncadd.s32 $0xFFFFC000;
	s14 =	smov.u32 s15;
	s17 =	sadd.s32 $0x10, s15  }
0x20: {  	[tilespmem:s3], [sflag:$0x1] =	stream.linear.gather [hbm4b:s16+s3], $0x80, $0x38;
	[tilespmem:$0x17C80] =	vst v63  }
0x21: {  	p0 =	sne.s32 s15, $0x4E0;
	_ =	swait.ge [sflag:s11], $0x80  }
.Ltmp0:
0x22: {  	[sflag:s11] =	ssyncset.done $0x0;
	(pc) =	sbr.rel @p0 .LBB2_2-.Ltmp0, $4  }
0x23: {  	[sflag:s11] =	ssyncadd.s32 $0xFFFFFF80  }
0x24: {  	[spmem:s2] =	stream.indirect.scatter.add.f32 [tilespmem:s12], [sflag:$0x1], $0x80, s3, s12, $0xb8;
	[tilespmem:$0x17C80] =	vst v63  }
0x25: {  	_ =	swait.ge [sflag:s11], $0x4000  }
0x26: {  	s15 =	smov.u32 s17;
	[sflag:s11] =	ssyncset.done $0x0  }
0x27: {  	s14 =	sadd.s32 s14, s9;
	[sflag:s11] =	ssyncadd.s32 $0xFFFFC000  }
0x28: {  	[tilespmem:s3], [sflag:$0x1] =	stream.linear.gather [hbm4b:s14+s3], $0x80, $0x38;
	[tilespmem:$0x17C80] =	vst v63  }
0x29: {  	_ =	swait.ge [sflag:s11], $0x80  }
0x2a: {  	[sflag:s11] =	ssyncset.done $0x0  }
0x2b: {  	[sflag:s11] =	ssyncadd.s32 $0xFFFFFF80  }
0x2c: {  	[spmem:s2] =	stream.indirect.scatter.add.f32 [tilespmem:s12], [sflag:$0x1], $0x80, s3, s12, $0xb8;
	[tilespmem:$0x17C80] =	vst v63  }
0x2d: {  	_ =	swait.ge [sflag:s11], $0x4000  }
0x2e: {  	s13 =	sadd.s32 $0x1, s13;
	[sflag:s11] =	ssyncset.done $0x0  }
0x2f: {  	p0 =	sne.s32 s13, s8;
	[sflag:s11] =	ssyncadd.s32 $0xFFFFC000  }
.Ltmp1:
0x30: {  	[bflag:$0x0] =	sbarrier.arrive $0xFFFF;
	(pc) =	sbr.rel @p0 .LBB2_1-.Ltmp1, $4  }
0x31: {  	[hbm:s7], [sflag:s6] =	dma.local [spmem:s10], $0x2780  }
0x32: {  	_ =	swait.ge [sflag:s11], $0x2780  }
0x33: {  	[sflag:s11] =	ssyncset.done $0x0  }
0x34: {  	[sflag:s11] =	ssyncadd.s32 $0xFFFFD880  }
0x35: {  	_ =	sfence.sel $0x180000  }
0x36: {  	[bflag:$0x0] =	sbarrier.arrive $0xFFFF  }
0x37: {  	p0 =	sne.s32 s1, $0x0;
	_ =	strace $0x9000004A  }
0x38: {  	s0 =	sadd.s32 @!p0 $0x100000, s0;
	[bflag:$0x2] =	sbarrier.arrive $0xFFFF  }
0x39: {  	[sflag:s0] =	ssyncadd.tile.s32 @!p0 $0x1;
	_ =	shalt  }
.Lfunc_end2:
_tile_overlayer_lowered:
.L_overlay_start_2:
0x3a: {  	(tag) =	ssettag $0x2  }
0x3b: {  	s0 =	rddreg [dreg:$0x0];
	s2 =	stileid.u32  }
0x3c: {  	s1 =	rddreg [dreg:$0x1];
	p0 =	sne.s32 s2, $0x0  }
0x3d: {  	s3 =	rddreg [dreg:$0x2];
	[bflag:$0x3] =	sbarrier.arrive $0xFFFF;
	s2 =	simm.s32 @!p0 $0x1C01  }
0x3e: {  	[timem:s3], [sflag:s2] =	dma.local @!p0 [hbm:s0], s1  }
0x3f: {  	s0 =	simm.s32 @!p0 $0x1  }
0x40: {  	_ =	swait.ge @!p0 [sflag:s0], s1  }
0x41: {  	s1 =	ssub.s32 @!p0 $0x0, s1;
	[sflag:s0] =	ssyncset.done @!p0 $0x0  }
0x42: {  	[sflag:s0] =	ssyncadd.s32 @!p0 s1  }
0x43: {  	[bflag:$0x3] =	sbarrier.arrive $0xFFFF  }
0x44: {  	_ =	shalt  }

// kernel: kernel.14.cloned.1.call-start
scs
__scs_entry_jumppad:
0x0: {  	(pc) =	sbr.rel $0x88, $3  }
0x1: {  	(tag) =	ssettag $0x0;
	lr =	simm.s32 $0x1  }
0x2: {  	[smem:$0x3F8F] =	sst lr;
	_ =	strace $0xD0000000  }
0x3: {  	_ = 	snop  }
0x4: {  	_ = 	snop  }
0x5: {  	_ = 	snop  }
0x6: {  	_ = 	snop  }
0x7: {  	_ = 	snop  }
__scs_overlays_trampoline_lowered:
0x8: {  	[smem:$0x3F9E] =	sst s0  }
0x9: {  	[smem:$0x3F9F] =	sst s1  }
0xa: {  	[smem:$0x3FA0] =	sst s2  }
0xb: {  	[smem:$0x3FA1] =	sst s3  }
0xc: {  	[smem:$0x3FA2] =	sst s4  }
0xd: {  	[smem:$0x3FA3] =	sst s5  }
0xe: {  	[smem:$0x3FA4] =	sst s6  }
0xf: {  	[smem:$0x3FA5] =	sst s7  }
0x10: {  	[smem:$0x3FA6] =	sst s8  }
0x11: {  	[smem:$0x3FA7] =	sst s9;
	s0 =	simm.s32 @!p0 $0x0  }
0x12: {  	s1 =	sld [smem:$0x3F8D];
	s0 =	simm.s32 @p0 $0x1  }
0x13: {  	[smem:$0x3FA8] =	sst s0;
	s0 =	simm.s32 @!p1 $0x0  }
0x14: {  	s2 =	sld [smem:$0x3F8C];
	s0 =	simm.s32 @p1 $0x1  }
0x15: {  	[smem:$0x3FA9] =	sst s0;
	s0 =	simm.s32 @!p2 $0x0  }
0x16: {  	s3 =	sld [smem:$0x3FDB];
	s0 =	simm.s32 @p2 $0x1  }
0x17: {  	s4 =	simm.s32 $0x1BF5;
	[smem:$0x3FAB] =	sst s0  }
0x18: {  	s0 =	sld [smem:$0x3F8E];
	_ =	swait.ge [sflag:s4], $0x0  }
0x19: {  	s7 =	sld [smem:$0x3F8F]  }
0x1a: {  	s8 =	sadd.s32 $0xFFFFE003, lr  }
0x1b: {  	s9 =	sadd.s32 $0xFFFFFEF7, lr;
	s5 =	simm.s32 $0xFFFFFFFF;
	p2 =	slt.u32 s8, $0xFFFFF086  }
0x1c: {  	p1 =	slt.u32 s9, $0xF7A;
	s5 =	simm.s32 @!p2 $0x0  }
0x1d: {  	s5 =	simm.s32 @p1 $0x1;
	p0 =	seq.s32 s7, s2  }
0x1e: {  	s7 =	smul.u32 @!p0 $0xF7A, s2;
	p2 =	seq.s32 @!p0 s5, $0x0  }
0x1f: {  	s9 =	smul.u32 $0xF7A, s1;
	s8 =	simm.s32 @!p0 $0x1BF5;
	p2 =	por !p2, p0  }
0x20: {  	[sflag:s8] =	ssyncset.s32 @!p0 $0xFFFFF086;
	s6 =	sadd.s32 @!p0 s3, s7;
	s7 =	simm.s32 @!p0 $0x108  }
0x21: {  	s3 =	sadd.s32 s3, s9;
	s6 =	sadd.s32 @!p0 $0x88, s6;
	s7 =	simm.s32 @p2 $0x1082  }
0x22: {  	[simem:s7], [sflag:s8] =	dma.local @!p0 [hbm:s6], $0xF7A  }
0x23: {  	s9 =	sor.u32 $0xD0000000, s2;
	s6 =	simm.s32 $0x108;
	_ =	swait.ge @!p0 [sflag:s8], $0x0  }
0x24: {  	s3 =	sadd.s32 $0x88, s3;
	s6 =	simm.s32 @!p1 $0x1082;
	[sflag:s4] =	ssyncset.s32 $0xFFFFF086  }
0x25: {  	[simem:s6], [sflag:s4] =	dma.local [hbm:s3], $0xF7A  }
0x26: {  	[smem:$0x3F8F] =	sst s1;
	(tag) =	ssettag s2;
	_ =	strace s9  }
0x27: {  	s1 =	sld [smem:$0x3F9F]  }
0x28: {  	s2 =	sld [smem:$0x3FA0]  }
0x29: {  	s4 =	sld [smem:$0x3FA2]  }
0x2a: {  	p0 =	seq.s32 s5, $0x0;
	s5 =	sld [smem:$0x3FA3]  }
0x2b: {  	s6 =	sld [smem:$0x3FA4]  }
0x2c: {  	s7 =	sld [smem:$0x3FA5]  }
0x2d: {  	s3 =	simm.s32 $0x108;
	s8 =	sld [smem:$0x3FA6]  }
0x2e: {  	s3 =	simm.s32 @!p0 $0x1082;
	s9 =	sld [smem:$0x3FA7]  }
0x2f: {  	lr =	sadd.s32 s0, s3;
	s0 =	sld [smem:$0x3F9E]  }
0x30: {  	s3 =	sld [smem:$0x3FA1]  }
0x31: {  	[smem:$0x3FAA] =	sst s10  }
0x32: {  	s10 =	sld [smem:$0x3FA8];
	_ =	sdelay $0x3  }
0x33: {  	p0 =	seq.s32 s10, $0x1;
	s10 =	sld [smem:$0x3FAA];
	_ =	sdelay $0x3  }
0x34: {  	[smem:$0x3FAA] =	sst s10  }
0x35: {  	s10 =	sld [smem:$0x3FA9];
	_ =	sdelay $0x3  }
0x36: {  	p1 =	seq.s32 s10, $0x1;
	s10 =	sld [smem:$0x3FAA];
	_ =	sdelay $0x3  }
0x37: {  	[smem:$0x3FAA] =	sst s10  }
0x38: {  	s10 =	sld [smem:$0x3FAB]  }
0x39: {  	_ = 	snop;
	(pc) =	sbr.ind lr, $3  }
0x3a: {  	_ = 	snop  }
0x3b: {  	_ = 	snop  }
0x3c: {  	p2 =	seq.s32 s10, $0x1;
	s10 =	sld [smem:$0x3FAA]  }
0x3d: {  	_ =	shalt  }
0x3e: {  	_ =	shalt  }
0x3f: {  	_ =	shalt  }
0x40: {  	_ =	shalt  }
0x41: {  	_ =	shalt  }
0x42: {  	_ =	shalt  }
0x43: {  	_ =	shalt  }
0x44: {  	_ =	shalt  }
0x45: {  	_ =	shalt  }
0x46: {  	_ =	shalt  }
0x47: {  	_ =	shalt  }
0x48: {  	_ =	shalt  }
0x49: {  	_ =	shalt  }
0x4a: {  	_ =	shalt  }
0x4b: {  	_ =	shalt  }
0x4c: {  	_ =	shalt  }
0x4d: {  	_ =	shalt  }
0x4e: {  	_ =	shalt  }
0x4f: {  	_ =	shalt  }
0x50: {  	_ =	shalt  }
0x51: {  	_ =	shalt  }
0x52: {  	_ =	shalt  }
0x53: {  	_ =	shalt  }
0x54: {  	_ =	shalt  }
0x55: {  	_ =	shalt  }
0x56: {  	_ =	shalt  }
0x57: {  	_ =	shalt  }
0x58: {  	_ =	shalt  }
0x59: {  	_ =	shalt  }
0x5a: {  	_ =	shalt  }
0x5b: {  	_ =	shalt  }
0x5c: {  	_ =	shalt  }
0x5d: {  	_ =	shalt  }
0x5e: {  	_ =	shalt  }
0x5f: {  	_ =	shalt  }
0x60: {  	_ =	shalt  }
0x61: {  	_ =	shalt  }
0x62: {  	_ =	shalt  }
0x63: {  	_ =	shalt  }
0x64: {  	_ =	shalt  }
0x65: {  	_ =	shalt  }
0x66: {  	_ =	shalt  }
0x67: {  	_ =	shalt  }
0x68: {  	_ =	shalt  }
0x69: {  	_ =	shalt  }
0x6a: {  	_ =	shalt  }
0x6b: {  	_ =	shalt  }
0x6c: {  	_ =	shalt  }
0x6d: {  	_ =	shalt  }
0x6e: {  	_ =	shalt  }
0x6f: {  	_ =	shalt  }
0x70: {  	_ =	shalt  }
0x71: {  	_ =	shalt  }
0x72: {  	_ =	shalt  }
0x73: {  	_ =	shalt  }
0x74: {  	_ =	shalt  }
0x75: {  	_ =	shalt  }
0x76: {  	_ =	shalt  }
0x77: {  	_ =	shalt  }
0x78: {  	_ =	shalt  }
0x79: {  	_ =	shalt  }
0x7a: {  	_ =	shalt  }
0x7b: {  	_ =	shalt  }
0x7c: {  	_ =	shalt  }
0x7d: {  	_ =	shalt  }
0x7e: {  	_ =	shalt  }
0x7f: {  	_ =	shalt  }
0x80: {  	_ =	shalt  }
0x81: {  	_ =	shalt  }
0x82: {  	_ =	shalt  }
0x83: {  	_ =	shalt  }
0x84: {  	_ =	shalt  }
0x85: {  	_ =	shalt  }
0x86: {  	_ =	shalt  }
0x87: {  	_ =	shalt  }
.Lfunc_end0:
.L_simem_size_0:
called_computation.2_lowered:
.L_overlay_start_0:
0x88: {  	s2 =	sld [smem:$0x3FD9]  }
0x89: {  	s3 =	sld [smem:$0x3FFE];
	_ =	sdelay $0x1  }
0x8a: {  	s1 =	srdreg.scid  }
0x8b: {  	s0 =	sand.u32 $0x1, s1  }
0x8c: {  	s17 =	sshll.u32 s0, $0xA;
	s2 =	sadd.s32 s3, s2  }
0x8d: {  	s2 =	sadd.s32 s2, s17  }
0x8e: {  	[smem:$0x3FB6] =	sst s2  }
0x8f: {  	_ = 	snop  }
0x90: {  	s2 =	sld [smem:$0x3FD0];
	(tm) =	ssettm $0x1  }
0x91: {  	s18 =	sld [smem:$0x3FFB];
	_ =	sdelay $0x3  }
0x92: {  	_ =	strace s18  }
0x93: {  	s3 =	sld [smem:$0x3FFC];
	_ =	sdelay $0x3  }
0x94: {  	_ =	strace s3  }
0x95: {  	s3 =	sld [smem:$0x3FFD];
	_ =	sdelay $0x3  }
0x96: {  	_ =	strace s3  }
0x97: {  	_ =	strace $0x8FFFFFFF  }
0x98: {  	s19 =	sld [smem:$0x3FDB];
	_ =	sdelay $0x1  }
0x99: {  	s4 =	simm.s32 $_scs_section_size  }
0x9a: {  	s5 =	simm.s32 $_size__tile_overlayer_lowered;
	s6 =	simm.s32 $_tile_overlayer_lowered  }
0x9b: {  	s22 =	simm.s32 $0x1BFF;
	s21 =	sshll.u32 s6, $0x1;
	s3 =	sadd.s32 s4, s19  }
0x9c: {  	s7 =	simm.s32 $0x0;
	s20 =	sshll.u32 s5, $0x1;
	s5 =	sadd.s32 s21, s3  }
0x9d: {  	[timem:s7], [sflag:s22] =	dma.local [hbm:s5], s20  }
0x9e: {  	_ =	swait.ge [sflag:s22], s20  }
0x9f: {  	s4 =	ssub.s32 $0x0, s20;
	[sflag:s22] =	ssyncset.done $0x0  }
0xa0: {  	[sflag:s22] =	ssyncadd.s32 s4;
	_ =	sdelay $0x1  }
0xa1: {  	s23 =	simm.s32 $0x1B8B  }
0xa2: {  	_ =	swait.ge [sflag:s23], $0x1  }
0xa3: {  	[sflag:s23] =	ssyncset.done $0x0  }
0xa4: {  	s25 =	simm.s32 $0x1B8E;
	s24 =	sld [smem:$0x3FFE];
	[sflag:s23] =	ssyncadd.s32 $0xFFFFFFFF  }
0xa5: {  	s26 =	simm.s32 $execute0_lowered;
	[smem:$0x3FD2] =	sst s25  }
0xa6: {  	s5 =	sshll.u32 s26, $0x1;
	_ =	strace $0x8000004C;
	[dreg:$0x1] =	wrdreg $0xFFFFFFFF  }
0xa7: {  	s28 =	simm.s32 $_size_execute0_lowered;
	s3 =	sadd.s32 s3, s5;
	[dreg:$0x0] =	wrdreg $0x0  }
0xa8: {  	s5 =	sshll.u32 s28, $0x1;
	[dreg:$0x2] =	wrdreg s3  }
0xa9: {  	[dreg:$0x3] =	wrdreg s5  }
0xaa: {  	[dreg:$0x4] =	wrdreg $0xC0  }
0xab: {  	_ =	task [dreg:s7], $0x5FFFF  }
0xac: {  	[dreg:$0x1] =	wrdreg $0xFFFFFFFF  }
0xad: {  	[dreg:$0x0] =	wrdreg $0x60  }
0xae: {  	[dreg:$0x2] =	wrdreg s24  }
0xaf: {  	[dreg:$0x3] =	wrdreg s2  }
0xb0: {  	[dreg:$0x4] =	wrdreg $0x82000  }
0xb1: {  	[dreg:$0x5] =	wrdreg $0x9  }
0xb2: {  	_ =	task.clear_ibuf [dreg:s7], $0x6FFFF;
	_ =	strace $0x9000004C  }
0xb3: {  	s29 =	simm.s32 $0x9;
	_ =	strace $0x8000004E  }
0xb4: {  	_ =	swait.ge [sflag:s29], $0x1  }
0xb5: {  	[sflag:s29] =	ssyncadd.s32 $0xFFFFFFFF  }
0xb6: {  	_ =	strace $0x9000004E  }
0xb7: {  	_ =	sfence  }
0xb8: {  	s30 =	sld [smem:$0x0];
	_ =	sdelay $0x2  }
0xb9: {  	s31 =	sshll.u32 s1, $0xD;
	s1 =	sshrl.u32 s1, $0x2  }
0xba: {  	s3 =	sand.u32 $0x4000, s31;
	s1 =	sadd.s32 s1, s30  }
0xbb: {  	s0 =	sor.u32 s3, s0;
	s1 =	sshll.u32 s1, $0x11  }
0xbc: {  	s0 =	sor.u32 s1, s0  }
0xbd: {  	s0 =	sadd.s32 $0x8F2B, s0  }
0xbe: {  	[sflag:s0] =	ssyncadd.remote.s32 $0x1  }
0xbf: {  	_ =	sfence.sel $0xFFFF  }
0xc0: {  	[dreg:$0x0] =	wrdreg $0xFFFFFFFF;
	(pc) =	sbr.abs _section_cstart, $3  }
0xc1: {  	[dreg:$0x1] =	wrdreg $0xFFFFFFFF  }
0xc2: {  	_ =	task.clear_ibuf [dreg:s7], $0x2FFFF;
	_ =	strace $0x9FFFFFFF  }
0xc3: {  	(tm) =	ssettm $0x7FFFFFFF  }
tec
execute0_lowered:
.L_overlay_start_1:
0x0: {  	(tag) =	ssettag $0x1  }
0x1: {  	s6 =	rddreg [dreg:$0x0]  }
0x2: {  	s17 =	rddreg [dreg:$0x1]  }
0x3: {  	s2 =	rddreg [dreg:$0x2];
	s3 =	simm.s32 $0x0;
	s4 =	srdreg.scid  }
0x4: {  	s0 =	stileid.u32;
	s28 =	simm.s32 $0x4200;
	s29 =	simm.s32 $0x2  }
0x5: {  	s30 =	simm.s32 $0x0;
	[smem:$0x7FF] =	sst s3;
	s9 =	sand.u32 $0x1, s4  }
0x6: {  	s7 =	smul.u32 $0x2780, s0;
	s4 =	sadd.s32 $0x10200, s6;
	s18 =	sadd.s32 $0x3C00, s6  }
0x7: {  	s5 =	sadd.s32 $0xDA00, s6;
	s21 =	sshll.u32 s0, $0x1;
	s10 =	smul.u32 $0x4F000, s0  }
0x8: {  	s25 =	sshll.u32 s0, $0x6;
	s14 =	smul.u32 $0x9E, s0;
	_ =	strace $0x8000004D  }
0x9: {  	s8 =	smul.u32 $0x27800, s9;
	s22 =	ssub.s32 $0x2, s9;
	s23 =	sor.u32 s9, s21  }
0xa: {  	s16 =	smul.u32 $0x4F, s9;
	s24 =	sshrl.u32 s22, $0x1;
	s10 =	sshrl.u32 s10, $0x2  }
0xb: {  	s13 =	smul.u32 $0x4F0, s23;
	s23 =	simm.s32 $0x100;
	s7 =	sadd.s32 s7, s8  }
0xc: {  	s12 =	ssub.s32 s22, s24;
	s19 =	sadd.s32 s10, s2;
	s16 =	sadd.s32 s16, s14  }
0xd: {  	s22 =	simm.s32 $0x200;
	s24 =	simm.s32 $0x4;
	s11 =	sadd.s32 s7, s6  }
0xe: {  	s6 =	sor.u32 $0x1C03, s25;
	s7 =	sadd.s32 s17, s13;
	s8 =	sadd.s32 s18, s13  }
0xf: {  	s15 =	sadd.s32 $0x4E0, s13;
	s10 =	smax.u32 s12, $0x1;
	s26 =	sadd.s32 $0x4D0, s13  }
0x10: {  	s31 =	sshll.u32 s16, $0x4;
	s19 =	sshrl.u32 s19, $0x3;
	s25 =	simm.s32 $0x180  }
0x11: {  	s9 =	sadd.s32 $0xAEA00, s11;
	s11 =	sadd.s32 s17, s15;
	s12 =	sadd.s32 s18, s15  }
0x12: {  	s13 =	sadd.s32 s17, s26;
	s14 =	sadd.s32 s18, s26;
	s16 =	sadd.s32 s31, s17  }
0x13: {  	s20 =	sadd.s32 s31, s18;
	s21 =	sadd.s32 $0x10, s31;
	s26 =	simm.s32 $0x1  }
0x14: {  	s15 =	sadd.s32 $0x20, s16;
	s16 =	sadd.s32 $0x20, s20;
	s17 =	sadd.s32 s21, s17  }
0x15: {  	s18 =	sadd.s32 s21, s18;
	s20 =	simm.s32 $0x3;
	s21 =	simm.s32 $0x80  }
.LBB2_1:
0x16: {  	[spmem:s19], [sflag:s6] =	dma.local [hbm:s5], $0x2780  }
0x17: {  	_ =	swait.ge [sflag:s20], $0x2780  }
0x18: {  	[sflag:s20] =	ssyncset.done $0x0  }
0x19: {  	[sflag:s20] =	ssyncadd.s32 $0xFFFFD880  }
0x1a: {  	[bflag:$0x0] =	sbarrier.arrive $0xFFFF  }
0x1b: {  	[tilespmem:s3], [sflag:$0x3] =	stream.linear.gather [hbm4b:s7+s3], $0x80, $0x38;
	[tilespmem:$0x1BE00] =	vst v63  }
0x1c: {  	_ =	swait.ge [sflag:s20], $0x80  }
0x1d: {  	[sflag:s20] =	ssyncset.done $0x0  }
0x1e: {  	[sflag:s20] =	ssyncadd.s32 $0xFFFFFF80  }
0x1f: {  	[tilespmem:s21], [sflag:$0x3] =	stream.linear.gather [hbm4b:s8+s3], $0x80, $0x38;
	[tilespmem:$0x1BE00] =	vst v63  }
0x20: {  	_ =	swait.ge [sflag:s20], $0x80  }
0x21: {  	[sflag:s20] =	ssyncset.done $0x0  }
0x22: {  	[sflag:s20] =	ssyncadd.s32 $0xFFFFFF80  }
0x23: {  	[tilespmem:s22], [sflag:$0x1] =	stream.indirect.gather [hbm4b:s4+s21], $0x80, s3, s21, $0xb8;
	[tilespmem:$0x1BE00] =	vst v63  }
0x24: {  	s31 =	sadd.s32 $0x0, s17  }
0x25: {  	[tilespmem:s23], [sflag:$0x4] =	stream.linear.gather [hbm4b:s31+s3], $0x80, $0x38;
	[tilespmem:$0x1BE00] =	vst v63  }
0x26: {  	_ =	swait.ge [sflag:s24], $0x80  }
0x27: {  	[sflag:s24] =	ssyncset.done $0x0  }
0x28: {  	s31 =	sadd.s32 $0x0, s18;
	[sflag:s24] =	ssyncadd.s32 $0xFFFFFF80  }
0x29: {  	[tilespmem:s25], [sflag:$0x4] =	stream.linear.gather [hbm4b:s31+s3], $0x80, $0x38;
	[tilespmem:$0x1BE00] =	vst v63  }
0x2a: {  	_ =	swait.ge [sflag:s24], $0x80  }
0x2b: {  	[sflag:s24] =	ssyncset.done $0x0  }
0x2c: {  	[sflag:s24] =	ssyncadd.s32 $0xFFFFFF80  }
0x2d: {  	_ =	swait.ge [sflag:s26], $0x4000  }
0x2e: {  	[sflag:s26] =	ssyncset.done $0x0  }
0x2f: {  	[sflag:s26] =	ssyncadd.s32 $0xFFFFC000  }
0x30: {  	[tilespmem:s28], [sflag:$0x2] =	stream.indirect.gather [hbm4b:s4+s21], $0x80, s23, s21, $0xb8;
	[tilespmem:$0x1BE00] =	vst v63  }
0x31: {  	_ = 	snop  }
0x32: {  	[spmem:s2] =	stream.indirect.scatter.add.f32 [tilespmem:s22], [sflag:$0x4], $0x80, s21, s21, $0xb8;
	[tilespmem:$0x1BE00] =	vst v63  }
0x33: {  	_ =	swait.ge [sflag:s24], $0x4000  }
0x34: {  	[sflag:s24] =	ssyncset.done $0x0  }
0x35: {  	s31 =	sadd.s32 $0x0, s15;
	[sflag:s24] =	ssyncadd.s32 $0xFFFFC000  }
0x36: {  	[tilespmem:s3], [sflag:$0x4] =	stream.linear.gather [hbm4b:s31+s3], $0x80, $0x38;
	[tilespmem:$0x1BE00] =	vst v63  }
0x37: {  	_ =	swait.ge [sflag:s24], $0x80  }
0x38: {  	[sflag:s24] =	ssyncset.done $0x0  }
0x39: {  	s31 =	sadd.s32 $0x0, s16;
	[sflag:s24] =	ssyncadd.s32 $0xFFFFFF80  }
0x3a: {  	[tilespmem:s21], [sflag:$0x4] =	stream.linear.gather [hbm4b:s31+s3], $0x80, $0x38;
	[tilespmem:$0x1BE00] =	vst v63  }
0x3b: {  	_ =	swait.ge [sflag:s24], $0x80  }
0x3c: {  	[sflag:s24] =	ssyncset.done $0x0  }
0x3d: {  	[sflag:s24] =	ssyncadd.s32 $0xFFFFFF80  }
0x3e: {  	_ =	swait.ge [sflag:s29], $0x4000  }
0x3f: {  	[sflag:s29] =	ssyncset.done $0x0  }
0x40: {  	[sflag:s29] =	ssyncadd.s32 $0xFFFFC000  }
0x41: {  	[tilespmem:s22], [sflag:$0x1] =	stream.indirect.gather [hbm4b:s4+s21], $0x80, s3, s21, $0xb8;
	[tilespmem:$0x1BE00] =	vst v63  }
0x42: {  	_ = 	snop  }
0x43: {  	[spmem:s2] =	stream.indirect.scatter.add.f32 [tilespmem:s28], [sflag:$0x3], $0x80, s25, s21, $0xb8;
	[tilespmem:$0x1BE00] =	vst v63  }
0x44: {  	_ =	swait.ge [sflag:s20], $0x4000  }
0x45: {  	s31 =	simm.s32 $0x20;
	[sflag:s20] =	ssyncset.done $0x0  }
.LBB2_2:
0x46: {  	p0 =	sne.s32 s31, $0x4A0  }
0x47: {  	[sflag:s20] =	ssyncadd.s32 $0xFFFFC000;
	s0 =	smov.u32 s31;
	s31 =	sadd.s32 $0x20, s31  }
0x48: {  	s1 =	sadd.s32 s0, s17  }
0x49: {  	[tilespmem:s23], [sflag:$0x4] =	stream.linear.gather [hbm4b:s1+s3], $0x80, $0x38;
	[tilespmem:$0x1BE00] =	vst v63  }
0x4a: {  	_ =	swait.ge [sflag:s24], $0x80  }
0x4b: {  	[sflag:s24] =	ssyncset.done $0x0  }
0x4c: {  	s1 =	sadd.s32 s0, s18;
	[sflag:s24] =	ssyncadd.s32 $0xFFFFFF80  }
0x4d: {  	[tilespmem:s25], [sflag:$0x4] =	stream.linear.gather [hbm4b:s1+s3], $0x80, $0x38;
	[tilespmem:$0x1BE00] =	vst v63  }
0x4e: {  	_ =	swait.ge [sflag:s24], $0x80  }
0x4f: {  	[sflag:s24] =	ssyncset.done $0x0  }
0x50: {  	[sflag:s24] =	ssyncadd.s32 $0xFFFFFF80  }
0x51: {  	_ =	swait.ge [sflag:s26], $0x4000  }
0x52: {  	[sflag:s26] =	ssyncset.done $0x0  }
0x53: {  	[sflag:s26] =	ssyncadd.s32 $0xFFFFC000  }
0x54: {  	[tilespmem:s28], [sflag:$0x2] =	stream.indirect.gather [hbm4b:s4+s21], $0x80, s23, s21, $0xb8;
	[tilespmem:$0x1BE00] =	vst v63  }
0x55: {  	_ = 	snop  }
0x56: {  	[spmem:s2] =	stream.indirect.scatter.add.f32 [tilespmem:s22], [sflag:$0x4], $0x80, s21, s21, $0xb8;
	[tilespmem:$0x1BE00] =	vst v63  }
0x57: {  	_ =	swait.ge [sflag:s24], $0x4000  }
0x58: {  	[sflag:s24] =	ssyncset.done $0x0  }
0x59: {  	s1 =	sadd.s32 s0, s15;
	[sflag:s24] =	ssyncadd.s32 $0xFFFFC000  }
0x5a: {  	[tilespmem:s3], [sflag:$0x4] =	stream.linear.gather [hbm4b:s1+s3], $0x80, $0x38;
	[tilespmem:$0x1BE00] =	vst v63  }
0x5b: {  	_ =	swait.ge [sflag:s24], $0x80  }
0x5c: {  	[sflag:s24] =	ssyncset.done $0x0  }
0x5d: {  	s0 =	sadd.s32 s0, s16;
	[sflag:s24] =	ssyncadd.s32 $0xFFFFFF80  }
0x5e: {  	[tilespmem:s21], [sflag:$0x4] =	stream.linear.gather [hbm4b:s0+s3], $0x80, $0x38;
	[tilespmem:$0x1BE00] =	vst v63  }
0x5f: {  	_ =	swait.ge [sflag:s24], $0x80  }
0x60: {  	[sflag:s24] =	ssyncset.done $0x0  }
0x61: {  	[sflag:s24] =	ssyncadd.s32 $0xFFFFFF80  }
0x62: {  	_ =	swait.ge [sflag:s29], $0x4000  }
0x63: {  	[sflag:s29] =	ssyncset.done $0x0  }
0x64: {  	[sflag:s29] =	ssyncadd.s32 $0xFFFFC000  }
0x65: {  	[tilespmem:s22], [sflag:$0x1] =	stream.indirect.gather [hbm4b:s4+s21], $0x80, s3, s21, $0xb8;
	[tilespmem:$0x1BE00] =	vst v63  }
.Ltmp0:
0x66: {  	_ = 	snop;
	(pc) =	sbr.rel @p0 .LBB2_2-.Ltmp0, $4  }
0x67: {  	_ = 	snop  }
0x68: {  	[spmem:s2] =	stream.indirect.scatter.add.f32 [tilespmem:s28], [sflag:$0x3], $0x80, s25, s21, $0xb8;
	[tilespmem:$0x1BE00] =	vst v63  }
0x69: {  	_ =	swait.ge [sflag:s20], $0x4000  }
0x6a: {  	[sflag:s20] =	ssyncset.done $0x0  }
0x6b: {  	[sflag:s20] =	ssyncadd.s32 $0xFFFFC000  }
0x6c: {  	[tilespmem:s23], [sflag:$0x4] =	stream.linear.gather [hbm4b:s13+s3], $0x80, $0x38;
	[tilespmem:$0x1BE00] =	vst v63  }
0x6d: {  	_ =	swait.ge [sflag:s24], $0x80  }
0x6e: {  	[sflag:s24] =	ssyncset.done $0x0  }
0x6f: {  	[sflag:s24] =	ssyncadd.s32 $0xFFFFFF80  }
0x70: {  	[tilespmem:s25], [sflag:$0x4] =	stream.linear.gather [hbm4b:s14+s3], $0x80, $0x38;
	[tilespmem:$0x1BE00] =	vst v63  }
0x71: {  	_ =	swait.ge [sflag:s24], $0x80  }
0x72: {  	[sflag:s24] =	ssyncset.done $0x0  }
0x73: {  	[sflag:s24] =	ssyncadd.s32 $0xFFFFFF80  }
0x74: {  	_ =	swait.ge [sflag:s26], $0x4000  }
0x75: {  	[sflag:s26] =	ssyncset.done $0x0  }
0x76: {  	[sflag:s26] =	ssyncadd.s32 $0xFFFFC000  }
0x77: {  	[tilespmem:s28], [sflag:$0x2] =	stream.indirect.gather [hbm4b:s4+s21], $0x80, s23, s21, $0xb8;
	[tilespmem:$0x1BE00] =	vst v63  }
0x78: {  	_ = 	snop  }
0x79: {  	[spmem:s2] =	stream.indirect.scatter.add.f32 [tilespmem:s22], [sflag:$0x4], $0x80, s21, s21, $0xb8;
	[tilespmem:$0x1BE00] =	vst v63  }
0x7a: {  	_ =	swait.ge [sflag:s24], $0x4000  }
0x7b: {  	[sflag:s24] =	ssyncset.done $0x0  }
0x7c: {  	[sflag:s24] =	ssyncadd.s32 $0xFFFFC000  }
0x7d: {  	[tilespmem:s3], [sflag:$0x4] =	stream.linear.gather [hbm4b:s11+s3], $0x80, $0x38;
	[tilespmem:$0x1BE00] =	vst v63  }
0x7e: {  	_ =	swait.ge [sflag:s24], $0x80  }
0x7f: {  	[sflag:s24] =	ssyncset.done $0x0  }
0x80: {  	[sflag:s24] =	ssyncadd.s32 $0xFFFFFF80  }
0x81: {  	[tilespmem:s21], [sflag:$0x4] =	stream.linear.gather [hbm4b:s12+s3], $0x80, $0x38;
	[tilespmem:$0x1BE00] =	vst v63  }
0x82: {  	_ =	swait.ge [sflag:s24], $0x80  }
0x83: {  	[sflag:s24] =	ssyncset.done $0x0  }
0x84: {  	[sflag:s24] =	ssyncadd.s32 $0xFFFFFF80  }
0x85: {  	_ =	swait.ge [sflag:s29], $0x4000  }
0x86: {  	[sflag:s29] =	ssyncset.done $0x0  }
0x87: {  	[sflag:s29] =	ssyncadd.s32 $0xFFFFC000  }
0x88: {  	[tilespmem:s22], [sflag:$0x1] =	stream.indirect.gather [hbm4b:s4+s21], $0x80, s3, s21, $0xb8;
	[tilespmem:$0x1BE00] =	vst v63  }
0x89: {  	_ = 	snop  }
0x8a: {  	[spmem:s2] =	stream.indirect.scatter.add.f32 [tilespmem:s28], [sflag:$0x3], $0x80, s25, s21, $0xb8;
	[tilespmem:$0x1BE00] =	vst v63  }
0x8b: {  	_ =	swait.ge [sflag:s20], $0x4000  }
0x8c: {  	[sflag:s20] =	ssyncset.done $0x0  }
0x8d: {  	[sflag:s20] =	ssyncadd.s32 $0xFFFFC000  }
0x8e: {  	[tilespmem:s23], [sflag:$0x4] =	stream.linear.gather [hbm4b:s11+s3], $0x80, $0x38;
	[tilespmem:$0x1BE00] =	vst v63  }
0x8f: {  	_ =	swait.ge [sflag:s24], $0x80  }
0x90: {  	[sflag:s24] =	ssyncset.done $0x0  }
0x91: {  	[sflag:s24] =	ssyncadd.s32 $0xFFFFFF80  }
0x92: {  	[tilespmem:s25], [sflag:$0x4] =	stream.linear.gather [hbm4b:s12+s3], $0x80, $0x38;
	[tilespmem:$0x1BE00] =	vst v63  }
0x93: {  	_ =	swait.ge [sflag:s24], $0x80  }
0x94: {  	[sflag:s24] =	ssyncset.done $0x0  }
0x95: {  	[sflag:s24] =	ssyncadd.s32 $0xFFFFFF80  }
0x96: {  	_ =	swait.ge [sflag:s26], $0x4000  }
0x97: {  	[sflag:s26] =	ssyncset.done $0x0  }
0x98: {  	[sflag:s26] =	ssyncadd.s32 $0xFFFFC000  }
0x99: {  	[tilespmem:s28], [sflag:$0x2] =	stream.indirect.gather [hbm4b:s4+s21], $0x80, s23, s21, $0xb8;
	[tilespmem:$0x1BE00] =	vst v63  }
0x9a: {  	_ = 	snop  }
0x9b: {  	[spmem:s2] =	stream.indirect.scatter.add.f32 [tilespmem:s22], [sflag:$0x4], $0x80, s21, s21, $0xb8;
	[tilespmem:$0x1BE00] =	vst v63  }
0x9c: {  	_ =	swait.ge [sflag:s24], $0x4000  }
0x9d: {  	[sflag:s24] =	ssyncset.done $0x0  }
0x9e: {  	[sflag:s24] =	ssyncadd.s32 $0xFFFFC000  }
0x9f: {  	[tilespmem:s3], [sflag:$0x4] =	stream.linear.gather [hbm4b:s11+s3], $0x80, $0x38;
	[tilespmem:$0x1BE00] =	vst v63  }
0xa0: {  	_ =	swait.ge [sflag:s24], $0x80  }
0xa1: {  	[sflag:s24] =	ssyncset.done $0x0  }
0xa2: {  	[sflag:s24] =	ssyncadd.s32 $0xFFFFFF80  }
0xa3: {  	[tilespmem:s21], [sflag:$0x4] =	stream.linear.gather [hbm4b:s12+s3], $0x80, $0x38;
	[tilespmem:$0x1BE00] =	vst v63  }
0xa4: {  	_ =	swait.ge [sflag:s24], $0x80  }
0xa5: {  	[sflag:s24] =	ssyncset.done $0x0  }
0xa6: {  	[sflag:s24] =	ssyncadd.s32 $0xFFFFFF80  }
0xa7: {  	_ =	swait.ge [sflag:s29], $0x4000  }
0xa8: {  	[sflag:s29] =	ssyncset.done $0x0  }
0xa9: {  	[sflag:s29] =	ssyncadd.s32 $0xFFFFC000  }
0xaa: {  	[tilespmem:s22], [sflag:$0x1] =	stream.indirect.gather [hbm4b:s4+s21], $0x80, s3, s21, $0xb8;
	[tilespmem:$0x1BE00] =	vst v63  }
0xab: {  	_ =	swait.ge [sflag:s26], $0x4000  }
0xac: {  	s30 =	sadd.s32 $0x1, s30;
	[sflag:s26] =	ssyncset.done $0x0  }
0xad: {  	p0 =	sne.s32 s30, s10;
	[sflag:s26] =	ssyncadd.s32 $0xFFFFC000  }
.Ltmp1:
0xae: {  	[bflag:$0x0] =	sbarrier.arrive $0xFFFF;
	(pc) =	sbr.rel @p0 .LBB2_1-.Ltmp1, $4  }
0xaf: {  	[hbm:s9], [sflag:s6] =	dma.local [spmem:s19], $0x2780  }
0xb0: {  	_ =	swait.ge [sflag:s20], $0x2780  }
0xb1: {  	[sflag:s20] =	ssyncset.done $0x0  }
0xb2: {  	[sflag:s20] =	ssyncadd.s32 $0xFFFFD880  }
0xb3: {  	_ =	sfence.sel $0x180000  }
0xb4: {  	[bflag:$0x0] =	sbarrier.arrive $0xFFFF  }
0xb5: {  	_ =	strace $0x9000004D  }
0xb6: {  	s0 =	stileid.u32;
	[bflag:$0x2] =	sbarrier.arrive $0xFFFF  }
0xb7: {  	p0 =	sne.s32 s0, $0x0;
	s0 =	rddreg [dreg:$0x3]  }
0xb8: {  	s0 =	sadd.s32 @!p0 $0x100000, s0  }
0xb9: {  	[sflag:s0] =	ssyncadd.tile.s32 @!p0 $0x1;
	_ =	shalt  }
.Lfunc_end2:
_tile_overlayer_lowered:
.L_overlay_start_2:
0xba: {  	(tag) =	ssettag $0x2  }
0xbb: {  	s0 =	rddreg [dreg:$0x0];
	s2 =	stileid.u32  }
0xbc: {  	s1 =	rddreg [dreg:$0x1];
	p0 =	sne.s32 s2, $0x0  }
0xbd: {  	s3 =	rddreg [dreg:$0x2];
	[bflag:$0x3] =	sbarrier.arrive $0xFFFF;
	s2 =	simm.s32 @!p0 $0x1C03  }
0xbe: {  	[timem:s3], [sflag:s2] =	dma.local @!p0 [hbm:s0], s1  }
0xbf: {  	s0 =	simm.s32 @!p0 $0x3  }
0xc0: {  	_ =	swait.ge @!p0 [sflag:s0], s1  }
0xc1: {  	s1 =	ssub.s32 @!p0 $0x0, s1;
	[sflag:s0] =	ssyncset.done @!p0 $0x0  }
0xc2: {  	[sflag:s0] =	ssyncadd.s32 @!p0 s1  }
0xc3: {  	[bflag:$0x3] =	sbarrier.arrive $0xFFFF  }
0xc4: {  	_ =	shalt  }

// kernel: kernel.17.cloned.1.call-start
scs
__scs_entry_jumppad:
0x0: {  	(pc) =	sbr.rel $0x88, $3  }
0x1: {  	(tag) =	ssettag $0x0;
	lr =	simm.s32 $0x1  }
0x2: {  	[smem:$0x3F8F] =	sst lr;
	_ =	strace $0xD0000000  }
0x3: {  	_ = 	snop  }
0x4: {  	_ = 	snop  }
0x5: {  	_ = 	snop  }
0x6: {  	_ = 	snop  }
0x7: {  	_ = 	snop  }
__scs_overlays_trampoline_lowered:
0x8: {  	[smem:$0x3F9E] =	sst s0  }
0x9: {  	[smem:$0x3F9F] =	sst s1  }
0xa: {  	[smem:$0x3FA0] =	sst s2  }
0xb: {  	[smem:$0x3FA1] =	sst s3  }
0xc: {  	[smem:$0x3FA2] =	sst s4  }
0xd: {  	[smem:$0x3FA3] =	sst s5  }
0xe: {  	[smem:$0x3FA4] =	sst s6  }
0xf: {  	[smem:$0x3FA5] =	sst s7  }
0x10: {  	[smem:$0x3FA6] =	sst s8  }
0x11: {  	[smem:$0x3FA7] =	sst s9;
	s0 =	simm.s32 @!p0 $0x0  }
0x12: {  	s1 =	sld [smem:$0x3F8D];
	s0 =	simm.s32 @p0 $0x1  }
0x13: {  	[smem:$0x3FA8] =	sst s0;
	s0 =	simm.s32 @!p1 $0x0  }
0x14: {  	s2 =	sld [smem:$0x3F8C];
	s0 =	simm.s32 @p1 $0x1  }
0x15: {  	[smem:$0x3FA9] =	sst s0;
	s0 =	simm.s32 @!p2 $0x0  }
0x16: {  	s3 =	sld [smem:$0x3FDB];
	s0 =	simm.s32 @p2 $0x1  }
0x17: {  	s4 =	simm.s32 $0x1BF5;
	[smem:$0x3FAB] =	sst s0  }
0x18: {  	s0 =	sld [smem:$0x3F8E];
	_ =	swait.ge [sflag:s4], $0x0  }
0x19: {  	s7 =	sld [smem:$0x3F8F]  }
0x1a: {  	s8 =	sadd.s32 $0xFFFFE003, lr  }
0x1b: {  	s9 =	sadd.s32 $0xFFFFFEF7, lr;
	s5 =	simm.s32 $0xFFFFFFFF;
	p2 =	slt.u32 s8, $0xFFFFF086  }
0x1c: {  	p1 =	slt.u32 s9, $0xF7A;
	s5 =	simm.s32 @!p2 $0x0  }
0x1d: {  	s5 =	simm.s32 @p1 $0x1;
	p0 =	seq.s32 s7, s2  }
0x1e: {  	s7 =	smul.u32 @!p0 $0xF7A, s2;
	p2 =	seq.s32 @!p0 s5, $0x0  }
0x1f: {  	s9 =	smul.u32 $0xF7A, s1;
	s8 =	simm.s32 @!p0 $0x1BF5;
	p2 =	por !p2, p0  }
0x20: {  	[sflag:s8] =	ssyncset.s32 @!p0 $0xFFFFF086;
	s6 =	sadd.s32 @!p0 s3, s7;
	s7 =	simm.s32 @!p0 $0x108  }
0x21: {  	s3 =	sadd.s32 s3, s9;
	s6 =	sadd.s32 @!p0 $0x88, s6;
	s7 =	simm.s32 @p2 $0x1082  }
0x22: {  	[simem:s7], [sflag:s8] =	dma.local @!p0 [hbm:s6], $0xF7A  }
0x23: {  	s9 =	sor.u32 $0xD0000000, s2;
	s6 =	simm.s32 $0x108;
	_ =	swait.ge @!p0 [sflag:s8], $0x0  }
0x24: {  	s3 =	sadd.s32 $0x88, s3;
	s6 =	simm.s32 @!p1 $0x1082;
	[sflag:s4] =	ssyncset.s32 $0xFFFFF086  }
0x25: {  	[simem:s6], [sflag:s4] =	dma.local [hbm:s3], $0xF7A  }
0x26: {  	[smem:$0x3F8F] =	sst s1;
	(tag) =	ssettag s2;
	_ =	strace s9  }
0x27: {  	s1 =	sld [smem:$0x3F9F]  }
0x28: {  	s2 =	sld [smem:$0x3FA0]  }
0x29: {  	s4 =	sld [smem:$0x3FA2]  }
0x2a: {  	p0 =	seq.s32 s5, $0x0;
	s5 =	sld [smem:$0x3FA3]  }
0x2b: {  	s6 =	sld [smem:$0x3FA4]  }
0x2c: {  	s7 =	sld [smem:$0x3FA5]  }
0x2d: {  	s3 =	simm.s32 $0x108;
	s8 =	sld [smem:$0x3FA6]  }
0x2e: {  	s3 =	simm.s32 @!p0 $0x1082;
	s9 =	sld [smem:$0x3FA7]  }
0x2f: {  	lr =	sadd.s32 s0, s3;
	s0 =	sld [smem:$0x3F9E]  }
0x30: {  	s3 =	sld [smem:$0x3FA1]  }
0x31: {  	[smem:$0x3FAA] =	sst s10  }
0x32: {  	s10 =	sld [smem:$0x3FA8];
	_ =	sdelay $0x3  }
0x33: {  	p0 =	seq.s32 s10, $0x1;
	s10 =	sld [smem:$0x3FAA];
	_ =	sdelay $0x3  }
0x34: {  	[smem:$0x3FAA] =	sst s10  }
0x35: {  	s10 =	sld [smem:$0x3FA9];
	_ =	sdelay $0x3  }
0x36: {  	p1 =	seq.s32 s10, $0x1;
	s10 =	sld [smem:$0x3FAA];
	_ =	sdelay $0x3  }
0x37: {  	[smem:$0x3FAA] =	sst s10  }
0x38: {  	s10 =	sld [smem:$0x3FAB]  }
0x39: {  	_ = 	snop;
	(pc) =	sbr.ind lr, $3  }
0x3a: {  	_ = 	snop  }
0x3b: {  	_ = 	snop  }
0x3c: {  	p2 =	seq.s32 s10, $0x1;
	s10 =	sld [smem:$0x3FAA]  }
0x3d: {  	_ =	shalt  }
0x3e: {  	_ =	shalt  }
0x3f: {  	_ =	shalt  }
0x40: {  	_ =	shalt  }
0x41: {  	_ =	shalt  }
0x42: {  	_ =	shalt  }
0x43: {  	_ =	shalt  }
0x44: {  	_ =	shalt  }
0x45: {  	_ =	shalt  }
0x46: {  	_ =	shalt  }
0x47: {  	_ =	shalt  }
0x48: {  	_ =	shalt  }
0x49: {  	_ =	shalt  }
0x4a: {  	_ =	shalt  }
0x4b: {  	_ =	shalt  }
0x4c: {  	_ =	shalt  }
0x4d: {  	_ =	shalt  }
0x4e: {  	_ =	shalt  }
0x4f: {  	_ =	shalt  }
0x50: {  	_ =	shalt  }
0x51: {  	_ =	shalt  }
0x52: {  	_ =	shalt  }
0x53: {  	_ =	shalt  }
0x54: {  	_ =	shalt  }
0x55: {  	_ =	shalt  }
0x56: {  	_ =	shalt  }
0x57: {  	_ =	shalt  }
0x58: {  	_ =	shalt  }
0x59: {  	_ =	shalt  }
0x5a: {  	_ =	shalt  }
0x5b: {  	_ =	shalt  }
0x5c: {  	_ =	shalt  }
0x5d: {  	_ =	shalt  }
0x5e: {  	_ =	shalt  }
0x5f: {  	_ =	shalt  }
0x60: {  	_ =	shalt  }
0x61: {  	_ =	shalt  }
0x62: {  	_ =	shalt  }
0x63: {  	_ =	shalt  }
0x64: {  	_ =	shalt  }
0x65: {  	_ =	shalt  }
0x66: {  	_ =	shalt  }
0x67: {  	_ =	shalt  }
0x68: {  	_ =	shalt  }
0x69: {  	_ =	shalt  }
0x6a: {  	_ =	shalt  }
0x6b: {  	_ =	shalt  }
0x6c: {  	_ =	shalt  }
0x6d: {  	_ =	shalt  }
0x6e: {  	_ =	shalt  }
0x6f: {  	_ =	shalt  }
0x70: {  	_ =	shalt  }
0x71: {  	_ =	shalt  }
0x72: {  	_ =	shalt  }
0x73: {  	_ =	shalt  }
0x74: {  	_ =	shalt  }
0x75: {  	_ =	shalt  }
0x76: {  	_ =	shalt  }
0x77: {  	_ =	shalt  }
0x78: {  	_ =	shalt  }
0x79: {  	_ =	shalt  }
0x7a: {  	_ =	shalt  }
0x7b: {  	_ =	shalt  }
0x7c: {  	_ =	shalt  }
0x7d: {  	_ =	shalt  }
0x7e: {  	_ =	shalt  }
0x7f: {  	_ =	shalt  }
0x80: {  	_ =	shalt  }
0x81: {  	_ =	shalt  }
0x82: {  	_ =	shalt  }
0x83: {  	_ =	shalt  }
0x84: {  	_ =	shalt  }
0x85: {  	_ =	shalt  }
0x86: {  	_ =	shalt  }
0x87: {  	_ =	shalt  }
.Lfunc_end0:
.L_simem_size_0:
called_computation.3_lowered:
.L_overlay_start_0:
0x88: {  	s2 =	sld [smem:$0x3FD9]  }
0x89: {  	s3 =	sld [smem:$0x3FFE];
	_ =	sdelay $0x1  }
0x8a: {  	s1 =	srdreg.scid  }
0x8b: {  	s0 =	sand.u32 $0x1, s1  }
0x8c: {  	s17 =	sshll.u32 s0, $0xA;
	s2 =	sadd.s32 s3, s2  }
0x8d: {  	s2 =	sadd.s32 s2, s17  }
0x8e: {  	[smem:$0x3FB6] =	sst s2  }
0x8f: {  	_ = 	snop  }
0x90: {  	s18 =	sld [smem:$0x3FD0];
	(tm) =	ssettm $0x1  }
0x91: {  	s19 =	sld [smem:$0x3FFB];
	_ =	sdelay $0x3  }
0x92: {  	_ =	strace s19  }
0x93: {  	s2 =	sld [smem:$0x3FFC];
	_ =	sdelay $0x3  }
0x94: {  	_ =	strace s2  }
0x95: {  	s2 =	sld [smem:$0x3FFD];
	_ =	sdelay $0x3  }
0x96: {  	_ =	strace s2  }
0x97: {  	_ =	strace $0x8FFFFFFF  }
0x98: {  	s20 =	sld [smem:$0x3FDB];
	_ =	sdelay $0x1  }
0x99: {  	s4 =	simm.s32 $_scs_section_size  }
0x9a: {  	s5 =	simm.s32 $_size__tile_overlayer_lowered;
	s6 =	simm.s32 $_tile_overlayer_lowered  }
0x9b: {  	s7 =	simm.s32 $0x1BFF;
	s21 =	sshll.u32 s6, $0x1;
	s4 =	sadd.s32 s4, s20  }
0x9c: {  	s22 =	simm.s32 $0x0;
	s5 =	sshll.u32 s5, $0x1;
	s6 =	sadd.s32 s21, s4  }
0x9d: {  	[timem:s22], [sflag:s7] =	dma.local [hbm:s6], s5  }
0x9e: {  	_ =	swait.ge [sflag:s7], s5  }
0x9f: {  	s5 =	ssub.s32 $0x0, s5;
	[sflag:s7] =	ssyncset.done $0x0  }
0xa0: {  	[sflag:s7] =	ssyncadd.s32 s5;
	_ =	sdelay $0x1  }
0xa1: {  	s23 =	simm.s32 $0x1B8B  }
0xa2: {  	_ =	swait.ge [sflag:s23], $0x1  }
0xa3: {  	[sflag:s23] =	ssyncset.done $0x0  }
0xa4: {  	[sflag:s23] =	ssyncadd.s32 $0xFFFFFFFF  }
0xa5: {  	s5 =	sld [smem:$0x0]  }
0xa6: {  	s6 =	sand.u32 $0xFFFFFFFE, s1  }
0xa7: {  	p0 =	sne.s32 s1, s6  }
0xa8: {  	s6 =	sshll.u32 @p0 s6, $0xE  }
0xa9: {  	s6 =	sadd.s32 @p0 $0x11B8D, s6;
	s7 =	sshll.u32 @p0 s5, $0x11  }
0xaa: {  	s6 =	sor.u32 @p0 s7, s6  }
0xab: {  	[sflag:s6] =	ssyncadd.remote.s32 @p0 $0x1;
	_ =	sdelay $0x1  }
0xac: {  	s6 =	simm.s32 @p0 $0x1B8D  }
0xad: {  	_ =	swait.eq @p0 [sflag:s6], $0x1  }
0xae: {  	[sflag:s6] =	ssyncadd.s32 @p0 $0xFFFFFFFF  }
0xaf: {  	s7 =	sshll.u32 @!p0 s1, $0xE  }
0xb0: {  	s7 =	sor.u32 @!p0 $0x4000, s7;
	s6 =	simm.s32 @!p0 $0x1B8D  }
0xb1: {  	s5 =	sshll.u32 @!p0 s5, $0x11;
	s7 =	sadd.s32 @!p0 $0x11B8D, s7;
	_ =	swait.eq @!p0 [sflag:s6], $0x1  }
0xb2: {  	s5 =	sor.u32 @!p0 s5, s7;
	[sflag:s6] =	ssyncadd.s32 @!p0 $0xFFFFFFFF  }
0xb3: {  	s25 =	simm.s32 $0x1B8E;
	s24 =	sld [smem:$0x3FFE];
	[sflag:s5] =	ssyncadd.remote.s32 @!p0 $0x1  }
0xb4: {  	s26 =	simm.s32 $execute0_lowered;
	[smem:$0x3FD2] =	sst s25  }
0xb5: {  	s6 =	sshll.u32 s26, $0x1;
	_ =	strace $0x8000004F;
	[dreg:$0x1] =	wrdreg $0xFFFFFFFF  }
0xb6: {  	s28 =	simm.s32 $_size_execute0_lowered;
	s4 =	sadd.s32 s4, s6;
	[dreg:$0x0] =	wrdreg $0x0  }
0xb7: {  	s6 =	sshll.u32 s28, $0x1;
	[dreg:$0x2] =	wrdreg s4  }
0xb8: {  	[dreg:$0x3] =	wrdreg s6  }
0xb9: {  	[dreg:$0x4] =	wrdreg $0xC0  }
0xba: {  	_ =	task [dreg:s22], $0x5FFFF  }
0xbb: {  	[dreg:$0x1] =	wrdreg $0xFFFFFFFF  }
0xbc: {  	[dreg:$0x0] =	wrdreg $0x60  }
0xbd: {  	[dreg:$0x2] =	wrdreg s24  }
0xbe: {  	[dreg:$0x3] =	wrdreg s18  }
0xbf: {  	[dreg:$0x4] =	wrdreg $0x82000  }
0xc0: {  	[dreg:$0x5] =	wrdreg $0xA  }
0xc1: {  	_ =	task.clear_ibuf [dreg:s22], $0x6FFFF;
	_ =	strace $0x9000004F  }
0xc2: {  	s29 =	simm.s32 $0xA;
	_ =	strace $0x80000051  }
0xc3: {  	_ =	swait.ge [sflag:s29], $0x1  }
0xc4: {  	[sflag:s29] =	ssyncadd.s32 $0xFFFFFFFF  }
0xc5: {  	_ =	strace $0x90000051  }
0xc6: {  	_ =	sfence  }
0xc7: {  	s30 =	sld [smem:$0x0];
	_ =	sdelay $0x2  }
0xc8: {  	s31 =	sshll.u32 s1, $0xD;
	s1 =	sshrl.u32 s1, $0x2  }
0xc9: {  	s4 =	sand.u32 $0x4000, s31;
	s1 =	sadd.s32 s1, s30  }
0xca: {  	s0 =	sor.u32 s4, s0;
	s1 =	sshll.u32 s1, $0x11  }
0xcb: {  	s0 =	sor.u32 s1, s0  }
0xcc: {  	s0 =	sadd.s32 $0x8F2B, s0  }
0xcd: {  	[sflag:s0] =	ssyncadd.remote.s32 $0x1  }
0xce: {  	_ =	sfence.sel $0xFFFF  }
0xcf: {  	[dreg:$0x0] =	wrdreg $0xFFFFFFFF;
	(pc) =	sbr.abs _section_cstart, $3  }
0xd0: {  	[dreg:$0x1] =	wrdreg $0xFFFFFFFF  }
0xd1: {  	_ =	task.clear_ibuf [dreg:s22], $0x2FFFF;
	_ =	strace $0x9FFFFFFF  }
0xd2: {  	(tm) =	ssettm $0x7FFFFFFF  }
0xd3: {  	_ =	shalt  }
tec
execute0_lowered:
.L_overlay_start_1:
0x0: {  	(tag) =	ssettag $0x1  }
0x1: {  	s6 =	rddreg [dreg:$0x0]  }
0x2: {  	s17 =	rddreg [dreg:$0x1]  }
0x3: {  	s2 =	rddreg [dreg:$0x2];
	s3 =	simm.s32 $0x0;
	s4 =	srdreg.scid  }
0x4: {  	s0 =	stileid.u32;
	s28 =	simm.s32 $0x4200;
	s29 =	simm.s32 $0x2  }
0x5: {  	s30 =	simm.s32 $0x0;
	[smem:$0x7FF] =	sst s3;
	s9 =	sand.u32 $0x1, s4  }
0x6: {  	s7 =	smul.u32 $0x2780, s0;
	s4 =	sadd.s32 $0x37400, s6;
	s18 =	sadd.s32 $0x3C00, s6  }
0x7: {  	s5 =	sadd.s32 $0xDA00, s6;
	s21 =	sshll.u32 s0, $0x1;
	s10 =	smul.u32 $0x4F000, s0  }
0x8: {  	s25 =	sshll.u32 s0, $0x6;
	s14 =	smul.u32 $0x9E, s0;
	_ =	strace $0x80000050  }
0x9: {  	s8 =	smul.u32 $0x27800, s9;
	s22 =	ssub.s32 $0x2, s9;
	s23 =	sor.u32 s9, s21  }
0xa: {  	s16 =	smul.u32 $0x4F, s9;
	s24 =	sshrl.u32 s22, $0x1;
	s10 =	sshrl.u32 s10, $0x2  }
0xb: {  	s13 =	smul.u32 $0x4F0, s23;
	s23 =	simm.s32 $0x100;
	s7 =	sadd.s32 s7, s8  }
0xc: {  	s12 =	ssub.s32 s22, s24;
	s19 =	sadd.s32 s10, s2;
	s16 =	sadd.s32 s16, s14  }
0xd: {  	s22 =	simm.s32 $0x200;
	s24 =	simm.s32 $0x4;
	s11 =	sadd.s32 s7, s6  }
0xe: {  	s6 =	sor.u32 $0x1C03, s25;
	s7 =	sadd.s32 s17, s13;
	s8 =	sadd.s32 s18, s13  }
0xf: {  	s15 =	sadd.s32 $0x4E0, s13;
	s10 =	smax.u32 s12, $0x1;
	s26 =	sadd.s32 $0x4D0, s13  }
0x10: {  	s31 =	sshll.u32 s16, $0x4;
	s19 =	sshrl.u32 s19, $0x3;
	s25 =	simm.s32 $0x180  }
0x11: {  	s9 =	sadd.s32 $0xFDA00, s11;
	s11 =	sadd.s32 s17, s15;
	s12 =	sadd.s32 s18, s15  }
0x12: {  	s13 =	sadd.s32 s17, s26;
	s14 =	sadd.s32 s18, s26;
	s16 =	sadd.s32 s31, s17  }
0x13: {  	s20 =	sadd.s32 s31, s18;
	s21 =	sadd.s32 $0x10, s31;
	s26 =	simm.s32 $0x1  }
0x14: {  	s15 =	sadd.s32 $0x20, s16;
	s16 =	sadd.s32 $0x20, s20;
	s17 =	sadd.s32 s21, s17  }
0x15: {  	s18 =	sadd.s32 s21, s18;
	s20 =	simm.s32 $0x3;
	s21 =	simm.s32 $0x80  }
.LBB2_1:
0x16: {  	[spmem:s19], [sflag:s6] =	dma.local [hbm:s5], $0x2780  }
0x17: {  	_ =	swait.ge [sflag:s20], $0x2780  }
0x18: {  	[sflag:s20] =	ssyncset.done $0x0  }
0x19: {  	[sflag:s20] =	ssyncadd.s32 $0xFFFFD880  }
0x1a: {  	[bflag:$0x0] =	sbarrier.arrive $0xFFFF  }
0x1b: {  	[tilespmem:s3], [sflag:$0x3] =	stream.linear.gather [hbm4b:s7+s3], $0x80, $0x38;
	[tilespmem:$0x1BE00] =	vst v63  }
0x1c: {  	_ =	swait.ge [sflag:s20], $0x80  }
0x1d: {  	[sflag:s20] =	ssyncset.done $0x0  }
0x1e: {  	[sflag:s20] =	ssyncadd.s32 $0xFFFFFF80  }
0x1f: {  	[tilespmem:s21], [sflag:$0x3] =	stream.linear.gather [hbm4b:s8+s3], $0x80, $0x38;
	[tilespmem:$0x1BE00] =	vst v63  }
0x20: {  	_ =	swait.ge [sflag:s20], $0x80  }
0x21: {  	[sflag:s20] =	ssyncset.done $0x0  }
0x22: {  	[sflag:s20] =	ssyncadd.s32 $0xFFFFFF80  }
0x23: {  	[tilespmem:s22], [sflag:$0x1] =	stream.indirect.gather [hbm4b:s4+s21], $0x80, s3, s21, $0xb8;
	[tilespmem:$0x1BE00] =	vst v63  }
0x24: {  	s31 =	sadd.s32 $0x0, s17  }
0x25: {  	[tilespmem:s23], [sflag:$0x4] =	stream.linear.gather [hbm4b:s31+s3], $0x80, $0x38;
	[tilespmem:$0x1BE00] =	vst v63  }
0x26: {  	_ =	swait.ge [sflag:s24], $0x80  }
0x27: {  	[sflag:s24] =	ssyncset.done $0x0  }
0x28: {  	s31 =	sadd.s32 $0x0, s18;
	[sflag:s24] =	ssyncadd.s32 $0xFFFFFF80  }
0x29: {  	[tilespmem:s25], [sflag:$0x4] =	stream.linear.gather [hbm4b:s31+s3], $0x80, $0x38;
	[tilespmem:$0x1BE00] =	vst v63  }
0x2a: {  	_ =	swait.ge [sflag:s24], $0x80  }
0x2b: {  	[sflag:s24] =	ssyncset.done $0x0  }
0x2c: {  	[sflag:s24] =	ssyncadd.s32 $0xFFFFFF80  }
0x2d: {  	_ =	swait.ge [sflag:s26], $0x4000  }
0x2e: {  	[sflag:s26] =	ssyncset.done $0x0  }
0x2f: {  	[sflag:s26] =	ssyncadd.s32 $0xFFFFC000  }
0x30: {  	[tilespmem:s28], [sflag:$0x2] =	stream.indirect.gather [hbm4b:s4+s21], $0x80, s23, s21, $0xb8;
	[tilespmem:$0x1BE00] =	vst v63  }
0x31: {  	_ = 	snop  }
0x32: {  	[spmem:s2] =	stream.indirect.scatter.add.f32 [tilespmem:s22], [sflag:$0x4], $0x80, s21, s21, $0xb8;
	[tilespmem:$0x1BE00] =	vst v63  }
0x33: {  	_ =	swait.ge [sflag:s24], $0x4000  }
0x34: {  	[sflag:s24] =	ssyncset.done $0x0  }
0x35: {  	s31 =	sadd.s32 $0x0, s15;
	[sflag:s24] =	ssyncadd.s32 $0xFFFFC000  }
0x36: {  	[tilespmem:s3], [sflag:$0x4] =	stream.linear.gather [hbm4b:s31+s3], $0x80, $0x38;
	[tilespmem:$0x1BE00] =	vst v63  }
0x37: {  	_ =	swait.ge [sflag:s24], $0x80  }
0x38: {  	[sflag:s24] =	ssyncset.done $0x0  }
0x39: {  	s31 =	sadd.s32 $0x0, s16;
	[sflag:s24] =	ssyncadd.s32 $0xFFFFFF80  }
0x3a: {  	[tilespmem:s21], [sflag:$0x4] =	stream.linear.gather [hbm4b:s31+s3], $0x80, $0x38;
	[tilespmem:$0x1BE00] =	vst v63  }
0x3b: {  	_ =	swait.ge [sflag:s24], $0x80  }
0x3c: {  	[sflag:s24] =	ssyncset.done $0x0  }
0x3d: {  	[sflag:s24] =	ssyncadd.s32 $0xFFFFFF80  }
0x3e: {  	_ =	swait.ge [sflag:s29], $0x4000  }
0x3f: {  	[sflag:s29] =	ssyncset.done $0x0  }
0x40: {  	[sflag:s29] =	ssyncadd.s32 $0xFFFFC000  }
0x41: {  	[tilespmem:s22], [sflag:$0x1] =	stream.indirect.gather [hbm4b:s4+s21], $0x80, s3, s21, $0xb8;
	[tilespmem:$0x1BE00] =	vst v63  }
0x42: {  	_ = 	snop  }
0x43: {  	[spmem:s2] =	stream.indirect.scatter.add.f32 [tilespmem:s28], [sflag:$0x3], $0x80, s25, s21, $0xb8;
	[tilespmem:$0x1BE00] =	vst v63  }
0x44: {  	_ =	swait.ge [sflag:s20], $0x4000  }
0x45: {  	s31 =	simm.s32 $0x20;
	[sflag:s20] =	ssyncset.done $0x0  }
.LBB2_2:
0x46: {  	p0 =	sne.s32 s31, $0x4A0  }
0x47: {  	[sflag:s20] =	ssyncadd.s32 $0xFFFFC000;
	s0 =	smov.u32 s31;
	s31 =	sadd.s32 $0x20, s31  }
0x48: {  	s1 =	sadd.s32 s0, s17  }
0x49: {  	[tilespmem:s23], [sflag:$0x4] =	stream.linear.gather [hbm4b:s1+s3], $0x80, $0x38;
	[tilespmem:$0x1BE00] =	vst v63  }
0x4a: {  	_ =	swait.ge [sflag:s24], $0x80  }
0x4b: {  	[sflag:s24] =	ssyncset.done $0x0  }
0x4c: {  	s1 =	sadd.s32 s0, s18;
	[sflag:s24] =	ssyncadd.s32 $0xFFFFFF80  }
0x4d: {  	[tilespmem:s25], [sflag:$0x4] =	stream.linear.gather [hbm4b:s1+s3], $0x80, $0x38;
	[tilespmem:$0x1BE00] =	vst v63  }
0x4e: {  	_ =	swait.ge [sflag:s24], $0x80  }
0x4f: {  	[sflag:s24] =	ssyncset.done $0x0  }
0x50: {  	[sflag:s24] =	ssyncadd.s32 $0xFFFFFF80  }
0x51: {  	_ =	swait.ge [sflag:s26], $0x4000  }
0x52: {  	[sflag:s26] =	ssyncset.done $0x0  }
0x53: {  	[sflag:s26] =	ssyncadd.s32 $0xFFFFC000  }
0x54: {  	[tilespmem:s28], [sflag:$0x2] =	stream.indirect.gather [hbm4b:s4+s21], $0x80, s23, s21, $0xb8;
	[tilespmem:$0x1BE00] =	vst v63  }
0x55: {  	_ = 	snop  }
0x56: {  	[spmem:s2] =	stream.indirect.scatter.add.f32 [tilespmem:s22], [sflag:$0x4], $0x80, s21, s21, $0xb8;
	[tilespmem:$0x1BE00] =	vst v63  }
0x57: {  	_ =	swait.ge [sflag:s24], $0x4000  }
0x58: {  	[sflag:s24] =	ssyncset.done $0x0  }
0x59: {  	s1 =	sadd.s32 s0, s15;
	[sflag:s24] =	ssyncadd.s32 $0xFFFFC000  }
0x5a: {  	[tilespmem:s3], [sflag:$0x4] =	stream.linear.gather [hbm4b:s1+s3], $0x80, $0x38;
	[tilespmem:$0x1BE00] =	vst v63  }
0x5b: {  	_ =	swait.ge [sflag:s24], $0x80  }
0x5c: {  	[sflag:s24] =	ssyncset.done $0x0  }
0x5d: {  	s0 =	sadd.s32 s0, s16;
	[sflag:s24] =	ssyncadd.s32 $0xFFFFFF80  }
0x5e: {  	[tilespmem:s21], [sflag:$0x4] =	stream.linear.gather [hbm4b:s0+s3], $0x80, $0x38;
	[tilespmem:$0x1BE00] =	vst v63  }
0x5f: {  	_ =	swait.ge [sflag:s24], $0x80  }
0x60: {  	[sflag:s24] =	ssyncset.done $0x0  }
0x61: {  	[sflag:s24] =	ssyncadd.s32 $0xFFFFFF80  }
0x62: {  	_ =	swait.ge [sflag:s29], $0x4000  }
0x63: {  	[sflag:s29] =	ssyncset.done $0x0  }
0x64: {  	[sflag:s29] =	ssyncadd.s32 $0xFFFFC000  }
0x65: {  	[tilespmem:s22], [sflag:$0x1] =	stream.indirect.gather [hbm4b:s4+s21], $0x80, s3, s21, $0xb8;
	[tilespmem:$0x1BE00] =	vst v63  }
.Ltmp0:
0x66: {  	_ = 	snop;
	(pc) =	sbr.rel @p0 .LBB2_2-.Ltmp0, $4  }
0x67: {  	_ = 	snop  }
0x68: {  	[spmem:s2] =	stream.indirect.scatter.add.f32 [tilespmem:s28], [sflag:$0x3], $0x80, s25, s21, $0xb8;
	[tilespmem:$0x1BE00] =	vst v63  }
0x69: {  	_ =	swait.ge [sflag:s20], $0x4000  }
0x6a: {  	[sflag:s20] =	ssyncset.done $0x0  }
0x6b: {  	[sflag:s20] =	ssyncadd.s32 $0xFFFFC000  }
0x6c: {  	[tilespmem:s23], [sflag:$0x4] =	stream.linear.gather [hbm4b:s13+s3], $0x80, $0x38;
	[tilespmem:$0x1BE00] =	vst v63  }
0x6d: {  	_ =	swait.ge [sflag:s24], $0x80  }
0x6e: {  	[sflag:s24] =	ssyncset.done $0x0  }
0x6f: {  	[sflag:s24] =	ssyncadd.s32 $0xFFFFFF80  }
0x70: {  	[tilespmem:s25], [sflag:$0x4] =	stream.linear.gather [hbm4b:s14+s3], $0x80, $0x38;
	[tilespmem:$0x1BE00] =	vst v63  }
0x71: {  	_ =	swait.ge [sflag:s24], $0x80  }
0x72: {  	[sflag:s24] =	ssyncset.done $0x0  }
0x73: {  	[sflag:s24] =	ssyncadd.s32 $0xFFFFFF80  }
0x74: {  	_ =	swait.ge [sflag:s26], $0x4000  }
0x75: {  	[sflag:s26] =	ssyncset.done $0x0  }
0x76: {  	[sflag:s26] =	ssyncadd.s32 $0xFFFFC000  }
0x77: {  	[tilespmem:s28], [sflag:$0x2] =	stream.indirect.gather [hbm4b:s4+s21], $0x80, s23, s21, $0xb8;
	[tilespmem:$0x1BE00] =	vst v63  }
0x78: {  	_ = 	snop  }
0x79: {  	[spmem:s2] =	stream.indirect.scatter.add.f32 [tilespmem:s22], [sflag:$0x4], $0x80, s21, s21, $0xb8;
	[tilespmem:$0x1BE00] =	vst v63  }
0x7a: {  	_ =	swait.ge [sflag:s24], $0x4000  }
0x7b: {  	[sflag:s24] =	ssyncset.done $0x0  }
0x7c: {  	[sflag:s24] =	ssyncadd.s32 $0xFFFFC000  }
0x7d: {  	[tilespmem:s3], [sflag:$0x4] =	stream.linear.gather [hbm4b:s11+s3], $0x80, $0x38;
	[tilespmem:$0x1BE00] =	vst v63  }
0x7e: {  	_ =	swait.ge [sflag:s24], $0x80  }
0x7f: {  	[sflag:s24] =	ssyncset.done $0x0  }
0x80: {  	[sflag:s24] =	ssyncadd.s32 $0xFFFFFF80  }
0x81: {  	[tilespmem:s21], [sflag:$0x4] =	stream.linear.gather [hbm4b:s12+s3], $0x80, $0x38;
	[tilespmem:$0x1BE00] =	vst v63  }
0x82: {  	_ =	swait.ge [sflag:s24], $0x80  }
0x83: {  	[sflag:s24] =	ssyncset.done $0x0  }
0x84: {  	[sflag:s24] =	ssyncadd.s32 $0xFFFFFF80  }
0x85: {  	_ =	swait.ge [sflag:s29], $0x4000  }
0x86: {  	[sflag:s29] =	ssyncset.done $0x0  }
0x87: {  	[sflag:s29] =	ssyncadd.s32 $0xFFFFC000  }
0x88: {  	[tilespmem:s22], [sflag:$0x1] =	stream.indirect.gather [hbm4b:s4+s21], $0x80, s3, s21, $0xb8;
	[tilespmem:$0x1BE00] =	vst v63  }
0x89: {  	_ = 	snop  }
0x8a: {  	[spmem:s2] =	stream.indirect.scatter.add.f32 [tilespmem:s28], [sflag:$0x3], $0x80, s25, s21, $0xb8;
	[tilespmem:$0x1BE00] =	vst v63  }
0x8b: {  	_ =	swait.ge [sflag:s20], $0x4000  }
0x8c: {  	[sflag:s20] =	ssyncset.done $0x0  }
0x8d: {  	[sflag:s20] =	ssyncadd.s32 $0xFFFFC000  }
0x8e: {  	[tilespmem:s23], [sflag:$0x4] =	stream.linear.gather [hbm4b:s11+s3], $0x80, $0x38;
	[tilespmem:$0x1BE00] =	vst v63  }
0x8f: {  	_ =	swait.ge [sflag:s24], $0x80  }
0x90: {  	[sflag:s24] =	ssyncset.done $0x0  }
0x91: {  	[sflag:s24] =	ssyncadd.s32 $0xFFFFFF80  }
0x92: {  	[tilespmem:s25], [sflag:$0x4] =	stream.linear.gather [hbm4b:s12+s3], $0x80, $0x38;
	[tilespmem:$0x1BE00] =	vst v63  }
0x93: {  	_ =	swait.ge [sflag:s24], $0x80  }
0x94: {  	[sflag:s24] =	ssyncset.done $0x0  }
0x95: {  	[sflag:s24] =	ssyncadd.s32 $0xFFFFFF80  }
0x96: {  	_ =	swait.ge [sflag:s26], $0x4000  }
0x97: {  	[sflag:s26] =	ssyncset.done $0x0  }
0x98: {  	[sflag:s26] =	ssyncadd.s32 $0xFFFFC000  }
0x99: {  	[tilespmem:s28], [sflag:$0x2] =	stream.indirect.gather [hbm4b:s4+s21], $0x80, s23, s21, $0xb8;
	[tilespmem:$0x1BE00] =	vst v63  }
0x9a: {  	_ = 	snop  }
0x9b: {  	[spmem:s2] =	stream.indirect.scatter.add.f32 [tilespmem:s22], [sflag:$0x4], $0x80, s21, s21, $0xb8;
	[tilespmem:$0x1BE00] =	vst v63  }
0x9c: {  	_ =	swait.ge [sflag:s24], $0x4000  }
0x9d: {  	[sflag:s24] =	ssyncset.done $0x0  }
0x9e: {  	[sflag:s24] =	ssyncadd.s32 $0xFFFFC000  }
0x9f: {  	[tilespmem:s3], [sflag:$0x4] =	stream.linear.gather [hbm4b:s11+s3], $0x80, $0x38;
	[tilespmem:$0x1BE00] =	vst v63  }
0xa0: {  	_ =	swait.ge [sflag:s24], $0x80  }
0xa1: {  	[sflag:s24] =	ssyncset.done $0x0  }
0xa2: {  	[sflag:s24] =	ssyncadd.s32 $0xFFFFFF80  }
0xa3: {  	[tilespmem:s21], [sflag:$0x4] =	stream.linear.gather [hbm4b:s12+s3], $0x80, $0x38;
	[tilespmem:$0x1BE00] =	vst v63  }
0xa4: {  	_ =	swait.ge [sflag:s24], $0x80  }
0xa5: {  	[sflag:s24] =	ssyncset.done $0x0  }
0xa6: {  	[sflag:s24] =	ssyncadd.s32 $0xFFFFFF80  }
0xa7: {  	_ =	swait.ge [sflag:s29], $0x4000  }
0xa8: {  	[sflag:s29] =	ssyncset.done $0x0  }
0xa9: {  	[sflag:s29] =	ssyncadd.s32 $0xFFFFC000  }
0xaa: {  	[tilespmem:s22], [sflag:$0x1] =	stream.indirect.gather [hbm4b:s4+s21], $0x80, s3, s21, $0xb8;
	[tilespmem:$0x1BE00] =	vst v63  }
0xab: {  	_ =	swait.ge [sflag:s26], $0x4000  }
0xac: {  	s30 =	sadd.s32 $0x1, s30;
	[sflag:s26] =	ssyncset.done $0x0  }
0xad: {  	p0 =	sne.s32 s30, s10;
	[sflag:s26] =	ssyncadd.s32 $0xFFFFC000  }
.Ltmp1:
0xae: {  	[bflag:$0x0] =	sbarrier.arrive $0xFFFF;
	(pc) =	sbr.rel @p0 .LBB2_1-.Ltmp1, $4  }
0xaf: {  	[hbm:s9], [sflag:s6] =	dma.local [spmem:s19], $0x2780  }
0xb0: {  	_ =	swait.ge [sflag:s20], $0x2780  }
0xb1: {  	[sflag:s20] =	ssyncset.done $0x0  }
0xb2: {  	[sflag:s20] =	ssyncadd.s32 $0xFFFFD880  }
0xb3: {  	_ =	sfence.sel $0x180000  }
0xb4: {  	[bflag:$0x0] =	sbarrier.arrive $0xFFFF  }
0xb5: {  	_ =	strace $0x90000050  }
0xb6: {  	s0 =	stileid.u32;
	[bflag:$0x2] =	sbarrier.arrive $0xFFFF  }
0xb7: {  	p0 =	sne.s32 s0, $0x0;
	s0 =	rddreg [dreg:$0x3]  }
0xb8: {  	s0 =	sadd.s32 @!p0 $0x100000, s0  }
0xb9: {  	[sflag:s0] =	ssyncadd.tile.s32 @!p0 $0x1;
	_ =	shalt  }
.Lfunc_end2:
_tile_overlayer_lowered:
.L_overlay_start_2:
0xba: {  	(tag) =	ssettag $0x2  }
0xbb: {  	s0 =	rddreg [dreg:$0x0];
	s2 =	stileid.u32  }
0xbc: {  	s1 =	rddreg [dreg:$0x1];
	p0 =	sne.s32 s2, $0x0  }
0xbd: {  	s3 =	rddreg [dreg:$0x2];
	[bflag:$0x3] =	sbarrier.arrive $0xFFFF;
	s2 =	simm.s32 @!p0 $0x1C03  }
0xbe: {  	[timem:s3], [sflag:s2] =	dma.local @!p0 [hbm:s0], s1  }
0xbf: {  	s0 =	simm.s32 @!p0 $0x3  }
0xc0: {  	_ =	swait.ge @!p0 [sflag:s0], s1  }
0xc1: {  	s1 =	ssub.s32 @!p0 $0x0, s1;
	[sflag:s0] =	ssyncset.done @!p0 $0x0  }
0xc2: {  	[sflag:s0] =	ssyncadd.s32 @!p0 s1  }
0xc3: {  	[bflag:$0x3] =	sbarrier.arrive $0xFFFF  }
0xc4: {  	_ =	shalt  }

// kernel: kernel.8.cloned.1.call-start
scs
__scs_entry_jumppad:
0x0: {  	(pc) =	sbr.rel $0x88, $3  }
0x1: {  	(tag) =	ssettag $0x0;
	lr =	simm.s32 $0x1  }
0x2: {  	[smem:$0x3F8F] =	sst lr;
	_ =	strace $0xD0000000  }
0x3: {  	_ = 	snop  }
0x4: {  	_ = 	snop  }
0x5: {  	_ = 	snop  }
0x6: {  	_ = 	snop  }
0x7: {  	_ = 	snop  }
__scs_overlays_trampoline_lowered:
0x8: {  	[smem:$0x3F9E] =	sst s0  }
0x9: {  	[smem:$0x3F9F] =	sst s1  }
0xa: {  	[smem:$0x3FA0] =	sst s2  }
0xb: {  	[smem:$0x3FA1] =	sst s3  }
0xc: {  	[smem:$0x3FA2] =	sst s4  }
0xd: {  	[smem:$0x3FA3] =	sst s5  }
0xe: {  	[smem:$0x3FA4] =	sst s6  }
0xf: {  	[smem:$0x3FA5] =	sst s7  }
0x10: {  	[smem:$0x3FA6] =	sst s8  }
0x11: {  	[smem:$0x3FA7] =	sst s9;
	s0 =	simm.s32 @!p0 $0x0  }
0x12: {  	s1 =	sld [smem:$0x3F8D];
	s0 =	simm.s32 @p0 $0x1  }
0x13: {  	[smem:$0x3FA8] =	sst s0;
	s0 =	simm.s32 @!p1 $0x0  }
0x14: {  	s2 =	sld [smem:$0x3F8C];
	s0 =	simm.s32 @p1 $0x1  }
0x15: {  	[smem:$0x3FA9] =	sst s0;
	s0 =	simm.s32 @!p2 $0x0  }
0x16: {  	s3 =	sld [smem:$0x3FDB];
	s0 =	simm.s32 @p2 $0x1  }
0x17: {  	s4 =	simm.s32 $0x1BF5;
	[smem:$0x3FAB] =	sst s0  }
0x18: {  	s0 =	sld [smem:$0x3F8E];
	_ =	swait.ge [sflag:s4], $0x0  }
0x19: {  	s7 =	sld [smem:$0x3F8F]  }
0x1a: {  	s8 =	sadd.s32 $0xFFFFE003, lr  }
0x1b: {  	s9 =	sadd.s32 $0xFFFFFEF7, lr;
	s5 =	simm.s32 $0xFFFFFFFF;
	p2 =	slt.u32 s8, $0xFFFFF086  }
0x1c: {  	p1 =	slt.u32 s9, $0xF7A;
	s5 =	simm.s32 @!p2 $0x0  }
0x1d: {  	s5 =	simm.s32 @p1 $0x1;
	p0 =	seq.s32 s7, s2  }
0x1e: {  	s7 =	smul.u32 @!p0 $0xF7A, s2;
	p2 =	seq.s32 @!p0 s5, $0x0  }
0x1f: {  	s9 =	smul.u32 $0xF7A, s1;
	s8 =	simm.s32 @!p0 $0x1BF5;
	p2 =	por !p2, p0  }
0x20: {  	[sflag:s8] =	ssyncset.s32 @!p0 $0xFFFFF086;
	s6 =	sadd.s32 @!p0 s3, s7;
	s7 =	simm.s32 @!p0 $0x108  }
0x21: {  	s3 =	sadd.s32 s3, s9;
	s6 =	sadd.s32 @!p0 $0x88, s6;
	s7 =	simm.s32 @p2 $0x1082  }
0x22: {  	[simem:s7], [sflag:s8] =	dma.local @!p0 [hbm:s6], $0xF7A  }
0x23: {  	s9 =	sor.u32 $0xD0000000, s2;
	s6 =	simm.s32 $0x108;
	_ =	swait.ge @!p0 [sflag:s8], $0x0  }
0x24: {  	s3 =	sadd.s32 $0x88, s3;
	s6 =	simm.s32 @!p1 $0x1082;
	[sflag:s4] =	ssyncset.s32 $0xFFFFF086  }
0x25: {  	[simem:s6], [sflag:s4] =	dma.local [hbm:s3], $0xF7A  }
0x26: {  	[smem:$0x3F8F] =	sst s1;
	(tag) =	ssettag s2;
	_ =	strace s9  }
0x27: {  	s1 =	sld [smem:$0x3F9F]  }
0x28: {  	s2 =	sld [smem:$0x3FA0]  }
0x29: {  	s4 =	sld [smem:$0x3FA2]  }
0x2a: {  	p0 =	seq.s32 s5, $0x0;
	s5 =	sld [smem:$0x3FA3]  }
0x2b: {  	s6 =	sld [smem:$0x3FA4]  }
0x2c: {  	s7 =	sld [smem:$0x3FA5]  }
0x2d: {  	s3 =	simm.s32 $0x108;
	s8 =	sld [smem:$0x3FA6]  }
0x2e: {  	s3 =	simm.s32 @!p0 $0x1082;
	s9 =	sld [smem:$0x3FA7]  }
0x2f: {  	lr =	sadd.s32 s0, s3;
	s0 =	sld [smem:$0x3F9E]  }
0x30: {  	s3 =	sld [smem:$0x3FA1]  }
0x31: {  	[smem:$0x3FAA] =	sst s10  }
0x32: {  	s10 =	sld [smem:$0x3FA8];
	_ =	sdelay $0x3  }
0x33: {  	p0 =	seq.s32 s10, $0x1;
	s10 =	sld [smem:$0x3FAA];
	_ =	sdelay $0x3  }
0x34: {  	[smem:$0x3FAA] =	sst s10  }
0x35: {  	s10 =	sld [smem:$0x3FA9];
	_ =	sdelay $0x3  }
0x36: {  	p1 =	seq.s32 s10, $0x1;
	s10 =	sld [smem:$0x3FAA];
	_ =	sdelay $0x3  }
0x37: {  	[smem:$0x3FAA] =	sst s10  }
0x38: {  	s10 =	sld [smem:$0x3FAB]  }
0x39: {  	_ = 	snop;
	(pc) =	sbr.ind lr, $3  }
0x3a: {  	_ = 	snop  }
0x3b: {  	_ = 	snop  }
0x3c: {  	p2 =	seq.s32 s10, $0x1;
	s10 =	sld [smem:$0x3FAA]  }
0x3d: {  	_ =	shalt  }
0x3e: {  	_ =	shalt  }
0x3f: {  	_ =	shalt  }
0x40: {  	_ =	shalt  }
0x41: {  	_ =	shalt  }
0x42: {  	_ =	shalt  }
0x43: {  	_ =	shalt  }
0x44: {  	_ =	shalt  }
0x45: {  	_ =	shalt  }
0x46: {  	_ =	shalt  }
0x47: {  	_ =	shalt  }
0x48: {  	_ =	shalt  }
0x49: {  	_ =	shalt  }
0x4a: {  	_ =	shalt  }
0x4b: {  	_ =	shalt  }
0x4c: {  	_ =	shalt  }
0x4d: {  	_ =	shalt  }
0x4e: {  	_ =	shalt  }
0x4f: {  	_ =	shalt  }
0x50: {  	_ =	shalt  }
0x51: {  	_ =	shalt  }
0x52: {  	_ =	shalt  }
0x53: {  	_ =	shalt  }
0x54: {  	_ =	shalt  }
0x55: {  	_ =	shalt  }
0x56: {  	_ =	shalt  }
0x57: {  	_ =	shalt  }
0x58: {  	_ =	shalt  }
0x59: {  	_ =	shalt  }
0x5a: {  	_ =	shalt  }
0x5b: {  	_ =	shalt  }
0x5c: {  	_ =	shalt  }
0x5d: {  	_ =	shalt  }
0x5e: {  	_ =	shalt  }
0x5f: {  	_ =	shalt  }
0x60: {  	_ =	shalt  }
0x61: {  	_ =	shalt  }
0x62: {  	_ =	shalt  }
0x63: {  	_ =	shalt  }
0x64: {  	_ =	shalt  }
0x65: {  	_ =	shalt  }
0x66: {  	_ =	shalt  }
0x67: {  	_ =	shalt  }
0x68: {  	_ =	shalt  }
0x69: {  	_ =	shalt  }
0x6a: {  	_ =	shalt  }
0x6b: {  	_ =	shalt  }
0x6c: {  	_ =	shalt  }
0x6d: {  	_ =	shalt  }
0x6e: {  	_ =	shalt  }
0x6f: {  	_ =	shalt  }
0x70: {  	_ =	shalt  }
0x71: {  	_ =	shalt  }
0x72: {  	_ =	shalt  }
0x73: {  	_ =	shalt  }
0x74: {  	_ =	shalt  }
0x75: {  	_ =	shalt  }
0x76: {  	_ =	shalt  }
0x77: {  	_ =	shalt  }
0x78: {  	_ =	shalt  }
0x79: {  	_ =	shalt  }
0x7a: {  	_ =	shalt  }
0x7b: {  	_ =	shalt  }
0x7c: {  	_ =	shalt  }
0x7d: {  	_ =	shalt  }
0x7e: {  	_ =	shalt  }
0x7f: {  	_ =	shalt  }
0x80: {  	_ =	shalt  }
0x81: {  	_ =	shalt  }
0x82: {  	_ =	shalt  }
0x83: {  	_ =	shalt  }
0x84: {  	_ =	shalt  }
0x85: {  	_ =	shalt  }
0x86: {  	_ =	shalt  }
0x87: {  	_ =	shalt  }
.Lfunc_end0:
.L_simem_size_0:
called_computation_lowered:
.L_overlay_start_0:
0x88: {  	s2 =	sld [smem:$0x3FD9]  }
0x89: {  	s3 =	sld [smem:$0x3FFE];
	_ =	sdelay $0x1  }
0x8a: {  	s1 =	srdreg.scid  }
0x8b: {  	s0 =	sand.u32 $0x1, s1  }
0x8c: {  	s17 =	sshll.u32 s0, $0xA;
	s2 =	sadd.s32 s3, s2  }
0x8d: {  	s2 =	sadd.s32 s2, s17  }
0x8e: {  	[smem:$0x3FB6] =	sst s2  }
0x8f: {  	_ = 	snop  }
0x90: {  	s2 =	sld [smem:$0x3FC9]  }
0x91: {  	s18 =	sld [smem:$0x3FD0];
	(tm) =	ssettm $0x1  }
0x92: {  	s4 =	sld [smem:$0x3FFB];
	_ =	sdelay $0x3  }
0x93: {  	_ =	strace s4  }
0x94: {  	s4 =	sld [smem:$0x3FFC];
	_ =	sdelay $0x3  }
0x95: {  	_ =	strace s4  }
0x96: {  	s4 =	sld [smem:$0x3FFD];
	_ =	sdelay $0x3  }
0x97: {  	_ =	strace s4  }
0x98: {  	_ =	strace $0x8FFFFFFF  }
0x99: {  	s19 =	sld [smem:$0x3FDB];
	_ =	sdelay $0x1  }
0x9a: {  	s5 =	simm.s32 $_scs_section_size  }
0x9b: {  	s6 =	simm.s32 $_size__tile_overlayer_lowered;
	s7 =	simm.s32 $_tile_overlayer_lowered  }
0x9c: {  	s22 =	simm.s32 $0x1BFF;
	s21 =	sshll.u32 s7, $0x1;
	s4 =	sadd.s32 s5, s19  }
0x9d: {  	s8 =	simm.s32 $0x0;
	s20 =	sshll.u32 s6, $0x1;
	s6 =	sadd.s32 s21, s4  }
0x9e: {  	[timem:s8], [sflag:s22] =	dma.local [hbm:s6], s20  }
0x9f: {  	_ =	swait.ge [sflag:s22], s20  }
0xa0: {  	s5 =	ssub.s32 $0x0, s20;
	[sflag:s22] =	ssyncset.done $0x0  }
0xa1: {  	[sflag:s22] =	ssyncadd.s32 s5;
	_ =	sdelay $0x1  }
0xa2: {  	s23 =	simm.s32 $0x1B8B  }
0xa3: {  	_ =	swait.ge [sflag:s23], $0x1  }
0xa4: {  	[sflag:s23] =	ssyncset.done $0x0  }
0xa5: {  	s25 =	simm.s32 $0x1B8E;
	s24 =	sld [smem:$0x3FFE];
	[sflag:s23] =	ssyncadd.s32 $0xFFFFFFFF  }
0xa6: {  	s26 =	simm.s32 $execute0_lowered;
	[smem:$0x3FD2] =	sst s25  }
0xa7: {  	s6 =	sshll.u32 s26, $0x1;
	_ =	strace $0x80000046;
	[dreg:$0x1] =	wrdreg $0xFFFFFFFF  }
0xa8: {  	s28 =	simm.s32 $_size_execute0_lowered;
	s4 =	sadd.s32 s4, s6;
	[dreg:$0x0] =	wrdreg $0x0  }
0xa9: {  	s6 =	sshll.u32 s28, $0x1;
	[dreg:$0x2] =	wrdreg s4  }
0xaa: {  	[dreg:$0x3] =	wrdreg s6  }
0xab: {  	[dreg:$0x4] =	wrdreg $0xC0  }
0xac: {  	_ =	task [dreg:s8], $0x5FFFF  }
0xad: {  	[dreg:$0x1] =	wrdreg $0xFFFFFFFF  }
0xae: {  	[dreg:$0x0] =	wrdreg $0x60  }
0xaf: {  	[dreg:$0x2] =	wrdreg s2  }
0xb0: {  	[dreg:$0x3] =	wrdreg s18  }
0xb1: {  	[dreg:$0x4] =	wrdreg s24  }
0xb2: {  	[dreg:$0x5] =	wrdreg $0x82000  }
0xb3: {  	[dreg:$0x6] =	wrdreg $0x9  }
0xb4: {  	_ =	task.clear_ibuf [dreg:s8], $0x7FFFF;
	_ =	strace $0x90000046  }
0xb5: {  	s29 =	simm.s32 $0x9;
	_ =	strace $0x80000048  }
0xb6: {  	_ =	swait.ge [sflag:s29], $0x1  }
0xb7: {  	[sflag:s29] =	ssyncadd.s32 $0xFFFFFFFF  }
0xb8: {  	_ =	strace $0x90000048  }
0xb9: {  	_ =	sfence  }
0xba: {  	s30 =	sld [smem:$0x0];
	_ =	sdelay $0x2  }
0xbb: {  	s31 =	sshll.u32 s1, $0xD;
	s1 =	sshrl.u32 s1, $0x2  }
0xbc: {  	s3 =	sand.u32 $0x4000, s31;
	s1 =	sadd.s32 s1, s30  }
0xbd: {  	s0 =	sor.u32 s3, s0;
	s1 =	sshll.u32 s1, $0x11  }
0xbe: {  	s0 =	sor.u32 s1, s0  }
0xbf: {  	s0 =	sadd.s32 $0x8F2B, s0  }
0xc0: {  	[sflag:s0] =	ssyncadd.remote.s32 $0x1  }
0xc1: {  	_ =	sfence.sel $0xFFFF  }
0xc2: {  	[dreg:$0x0] =	wrdreg $0xFFFFFFFF;
	(pc) =	sbr.abs _section_cstart, $3  }
0xc3: {  	[dreg:$0x1] =	wrdreg $0xFFFFFFFF  }
0xc4: {  	_ =	task.clear_ibuf [dreg:s8], $0x2FFFF;
	_ =	strace $0x9FFFFFFF  }
0xc5: {  	(tm) =	ssettm $0x7FFFFFFF  }
tec
execute0_lowered:
.L_overlay_start_1:
0x0: {  	(tag) =	ssettag $0x1  }
0x1: {  	s1 =	rddreg [dreg:$0x0]  }
0x2: {  	s17 =	rddreg [dreg:$0x1]  }
0x3: {  	s6 =	rddreg [dreg:$0x2]  }
0x4: {  	s3 =	rddreg [dreg:$0x3];
	s5 =	srdreg.scid  }
0x5: {  	s0 =	stileid.u32;
	s4 =	simm.s32 $0x0;
	s28 =	simm.s32 $0x4200  }
0x6: {  	s29 =	simm.s32 $0x2;
	s30 =	simm.s32 $0x0;
	s7 =	smul.u32 $0x2780, s0  }
0x7: {  	s9 =	sand.u32 $0x1, s5;
	[smem:$0x7FF] =	sst s4;
	s10 =	smul.u32 $0x4F000, s0  }
0x8: {  	s18 =	sadd.s32 $0x3C00, s6;
	s5 =	sadd.s32 $0xDA00, s6;
	s14 =	smul.u32 $0x9E, s0  }
0x9: {  	s21 =	sshll.u32 s0, $0x1;
	s25 =	sshll.u32 s0, $0x6;
	s8 =	smul.u32 $0x27800, s9  }
0xa: {  	_ =	strace $0x80000047;
	s22 =	ssub.s32 $0x2, s9;
	s23 =	sor.u32 s9, s21  }
0xb: {  	s16 =	smul.u32 $0x4F, s9;
	s24 =	sshrl.u32 s22, $0x1;
	s10 =	sshrl.u32 s10, $0x2  }
0xc: {  	s13 =	smul.u32 $0x4F0, s23;
	s23 =	simm.s32 $0x100;
	s7 =	sadd.s32 s7, s8  }
0xd: {  	s12 =	ssub.s32 s22, s24;
	s19 =	sadd.s32 s10, s3;
	s16 =	sadd.s32 s16, s14  }
0xe: {  	s22 =	simm.s32 $0x200;
	s24 =	simm.s32 $0x4;
	s11 =	sadd.s32 s7, s6  }
0xf: {  	s6 =	sor.u32 $0x1C03, s25;
	s7 =	sadd.s32 s17, s13;
	s8 =	sadd.s32 s18, s13  }
0x10: {  	s15 =	sadd.s32 $0x4E0, s13;
	s10 =	smax.u32 s12, $0x1;
	s26 =	sadd.s32 $0x4D0, s13  }
0x11: {  	s31 =	sshll.u32 s16, $0x4;
	s19 =	sshrl.u32 s19, $0x3;
	s25 =	simm.s32 $0x180  }
0x12: {  	s9 =	sadd.s32 $0x10200, s11;
	s11 =	sadd.s32 s17, s15;
	s12 =	sadd.s32 s18, s15  }
0x13: {  	s13 =	sadd.s32 s17, s26;
	s14 =	sadd.s32 s18, s26;
	s16 =	sadd.s32 s31, s17  }
0x14: {  	s20 =	sadd.s32 s31, s18;
	s21 =	sadd.s32 $0x10, s31;
	s26 =	simm.s32 $0x1  }
0x15: {  	s15 =	sadd.s32 $0x20, s16;
	s16 =	sadd.s32 $0x20, s20;
	s17 =	sadd.s32 s21, s17  }
0x16: {  	s18 =	sadd.s32 s21, s18;
	s20 =	simm.s32 $0x3;
	s21 =	simm.s32 $0x80  }
.LBB2_1:
0x17: {  	[spmem:s19], [sflag:s6] =	dma.local [hbm:s5], $0x2780  }
0x18: {  	_ =	swait.ge [sflag:s20], $0x2780  }
0x19: {  	[sflag:s20] =	ssyncset.done $0x0  }
0x1a: {  	[sflag:s20] =	ssyncadd.s32 $0xFFFFD880  }
0x1b: {  	[bflag:$0x0] =	sbarrier.arrive $0xFFFF  }
0x1c: {  	[tilespmem:s4], [sflag:$0x3] =	stream.linear.gather [hbm4b:s7+s4], $0x80, $0x38;
	[tilespmem:$0x1BE00] =	vst v63  }
0x1d: {  	_ =	swait.ge [sflag:s20], $0x80  }
0x1e: {  	[sflag:s20] =	ssyncset.done $0x0  }
0x1f: {  	[sflag:s20] =	ssyncadd.s32 $0xFFFFFF80  }
0x20: {  	[tilespmem:s21], [sflag:$0x3] =	stream.linear.gather [hbm4b:s8+s4], $0x80, $0x38;
	[tilespmem:$0x1BE00] =	vst v63  }
0x21: {  	_ =	swait.ge [sflag:s20], $0x80  }
0x22: {  	[sflag:s20] =	ssyncset.done $0x0  }
0x23: {  	[sflag:s20] =	ssyncadd.s32 $0xFFFFFF80  }
0x24: {  	[tilespmem:s22], [sflag:$0x1] =	stream.indirect.gather [hbm4b:s1+s21], $0x80, s4, s21, $0xb8;
	[tilespmem:$0x1BE00] =	vst v63  }
0x25: {  	s31 =	sadd.s32 $0x0, s17  }
0x26: {  	[tilespmem:s23], [sflag:$0x4] =	stream.linear.gather [hbm4b:s31+s4], $0x80, $0x38;
	[tilespmem:$0x1BE00] =	vst v63  }
0x27: {  	_ =	swait.ge [sflag:s24], $0x80  }
0x28: {  	[sflag:s24] =	ssyncset.done $0x0  }
0x29: {  	s31 =	sadd.s32 $0x0, s18;
	[sflag:s24] =	ssyncadd.s32 $0xFFFFFF80  }
0x2a: {  	[tilespmem:s25], [sflag:$0x4] =	stream.linear.gather [hbm4b:s31+s4], $0x80, $0x38;
	[tilespmem:$0x1BE00] =	vst v63  }
0x2b: {  	_ =	swait.ge [sflag:s24], $0x80  }
0x2c: {  	[sflag:s24] =	ssyncset.done $0x0  }
0x2d: {  	[sflag:s24] =	ssyncadd.s32 $0xFFFFFF80  }
0x2e: {  	_ =	swait.ge [sflag:s26], $0x4000  }
0x2f: {  	[sflag:s26] =	ssyncset.done $0x0  }
0x30: {  	[sflag:s26] =	ssyncadd.s32 $0xFFFFC000  }
0x31: {  	[tilespmem:s28], [sflag:$0x2] =	stream.indirect.gather [hbm4b:s1+s21], $0x80, s23, s21, $0xb8;
	[tilespmem:$0x1BE00] =	vst v63  }
0x32: {  	_ = 	snop  }
0x33: {  	[spmem:s3] =	stream.indirect.scatter.add.f32 [tilespmem:s22], [sflag:$0x4], $0x80, s21, s21, $0xb8;
	[tilespmem:$0x1BE00] =	vst v63  }
0x34: {  	_ =	swait.ge [sflag:s24], $0x4000  }
0x35: {  	[sflag:s24] =	ssyncset.done $0x0  }
0x36: {  	s31 =	sadd.s32 $0x0, s15;
	[sflag:s24] =	ssyncadd.s32 $0xFFFFC000  }
0x37: {  	[tilespmem:s4], [sflag:$0x4] =	stream.linear.gather [hbm4b:s31+s4], $0x80, $0x38;
	[tilespmem:$0x1BE00] =	vst v63  }
0x38: {  	_ =	swait.ge [sflag:s24], $0x80  }
0x39: {  	[sflag:s24] =	ssyncset.done $0x0  }
0x3a: {  	s31 =	sadd.s32 $0x0, s16;
	[sflag:s24] =	ssyncadd.s32 $0xFFFFFF80  }
0x3b: {  	[tilespmem:s21], [sflag:$0x4] =	stream.linear.gather [hbm4b:s31+s4], $0x80, $0x38;
	[tilespmem:$0x1BE00] =	vst v63  }
0x3c: {  	_ =	swait.ge [sflag:s24], $0x80  }
0x3d: {  	[sflag:s24] =	ssyncset.done $0x0  }
0x3e: {  	[sflag:s24] =	ssyncadd.s32 $0xFFFFFF80  }
0x3f: {  	_ =	swait.ge [sflag:s29], $0x4000  }
0x40: {  	[sflag:s29] =	ssyncset.done $0x0  }
0x41: {  	[sflag:s29] =	ssyncadd.s32 $0xFFFFC000  }
0x42: {  	[tilespmem:s22], [sflag:$0x1] =	stream.indirect.gather [hbm4b:s1+s21], $0x80, s4, s21, $0xb8;
	[tilespmem:$0x1BE00] =	vst v63  }
0x43: {  	_ = 	snop  }
0x44: {  	[spmem:s3] =	stream.indirect.scatter.add.f32 [tilespmem:s28], [sflag:$0x3], $0x80, s25, s21, $0xb8;
	[tilespmem:$0x1BE00] =	vst v63  }
0x45: {  	_ =	swait.ge [sflag:s20], $0x4000  }
0x46: {  	s31 =	simm.s32 $0x20;
	[sflag:s20] =	ssyncset.done $0x0  }
.LBB2_2:
0x47: {  	p0 =	sne.s32 s31, $0x4A0  }
0x48: {  	[sflag:s20] =	ssyncadd.s32 $0xFFFFC000;
	s0 =	smov.u32 s31;
	s31 =	sadd.s32 $0x20, s31  }
0x49: {  	s2 =	sadd.s32 s0, s17  }
0x4a: {  	[tilespmem:s23], [sflag:$0x4] =	stream.linear.gather [hbm4b:s2+s4], $0x80, $0x38;
	[tilespmem:$0x1BE00] =	vst v63  }
0x4b: {  	_ =	swait.ge [sflag:s24], $0x80  }
0x4c: {  	[sflag:s24] =	ssyncset.done $0x0  }
0x4d: {  	s2 =	sadd.s32 s0, s18;
	[sflag:s24] =	ssyncadd.s32 $0xFFFFFF80  }
0x4e: {  	[tilespmem:s25], [sflag:$0x4] =	stream.linear.gather [hbm4b:s2+s4], $0x80, $0x38;
	[tilespmem:$0x1BE00] =	vst v63  }
0x4f: {  	_ =	swait.ge [sflag:s24], $0x80  }
0x50: {  	[sflag:s24] =	ssyncset.done $0x0  }
0x51: {  	[sflag:s24] =	ssyncadd.s32 $0xFFFFFF80  }
0x52: {  	_ =	swait.ge [sflag:s26], $0x4000  }
0x53: {  	[sflag:s26] =	ssyncset.done $0x0  }
0x54: {  	[sflag:s26] =	ssyncadd.s32 $0xFFFFC000  }
0x55: {  	[tilespmem:s28], [sflag:$0x2] =	stream.indirect.gather [hbm4b:s1+s21], $0x80, s23, s21, $0xb8;
	[tilespmem:$0x1BE00] =	vst v63  }
0x56: {  	_ = 	snop  }
0x57: {  	[spmem:s3] =	stream.indirect.scatter.add.f32 [tilespmem:s22], [sflag:$0x4], $0x80, s21, s21, $0xb8;
	[tilespmem:$0x1BE00] =	vst v63  }
0x58: {  	_ =	swait.ge [sflag:s24], $0x4000  }
0x59: {  	[sflag:s24] =	ssyncset.done $0x0  }
0x5a: {  	s2 =	sadd.s32 s0, s15;
	[sflag:s24] =	ssyncadd.s32 $0xFFFFC000  }
0x5b: {  	[tilespmem:s4], [sflag:$0x4] =	stream.linear.gather [hbm4b:s2+s4], $0x80, $0x38;
	[tilespmem:$0x1BE00] =	vst v63  }
0x5c: {  	_ =	swait.ge [sflag:s24], $0x80  }
0x5d: {  	[sflag:s24] =	ssyncset.done $0x0  }
0x5e: {  	s0 =	sadd.s32 s0, s16;
	[sflag:s24] =	ssyncadd.s32 $0xFFFFFF80  }
0x5f: {  	[tilespmem:s21], [sflag:$0x4] =	stream.linear.gather [hbm4b:s0+s4], $0x80, $0x38;
	[tilespmem:$0x1BE00] =	vst v63  }
0x60: {  	_ =	swait.ge [sflag:s24], $0x80  }
0x61: {  	[sflag:s24] =	ssyncset.done $0x0  }
0x62: {  	[sflag:s24] =	ssyncadd.s32 $0xFFFFFF80  }
0x63: {  	_ =	swait.ge [sflag:s29], $0x4000  }
0x64: {  	[sflag:s29] =	ssyncset.done $0x0  }
0x65: {  	[sflag:s29] =	ssyncadd.s32 $0xFFFFC000  }
0x66: {  	[tilespmem:s22], [sflag:$0x1] =	stream.indirect.gather [hbm4b:s1+s21], $0x80, s4, s21, $0xb8;
	[tilespmem:$0x1BE00] =	vst v63  }
.Ltmp0:
0x67: {  	_ = 	snop;
	(pc) =	sbr.rel @p0 .LBB2_2-.Ltmp0, $4  }
0x68: {  	_ = 	snop  }
0x69: {  	[spmem:s3] =	stream.indirect.scatter.add.f32 [tilespmem:s28], [sflag:$0x3], $0x80, s25, s21, $0xb8;
	[tilespmem:$0x1BE00] =	vst v63  }
0x6a: {  	_ =	swait.ge [sflag:s20], $0x4000  }
0x6b: {  	[sflag:s20] =	ssyncset.done $0x0  }
0x6c: {  	[sflag:s20] =	ssyncadd.s32 $0xFFFFC000  }
0x6d: {  	[tilespmem:s23], [sflag:$0x4] =	stream.linear.gather [hbm4b:s13+s4], $0x80, $0x38;
	[tilespmem:$0x1BE00] =	vst v63  }
0x6e: {  	_ =	swait.ge [sflag:s24], $0x80  }
0x6f: {  	[sflag:s24] =	ssyncset.done $0x0  }
0x70: {  	[sflag:s24] =	ssyncadd.s32 $0xFFFFFF80  }
0x71: {  	[tilespmem:s25], [sflag:$0x4] =	stream.linear.gather [hbm4b:s14+s4], $0x80, $0x38;
	[tilespmem:$0x1BE00] =	vst v63  }
0x72: {  	_ =	swait.ge [sflag:s24], $0x80  }
0x73: {  	[sflag:s24] =	ssyncset.done $0x0  }
0x74: {  	[sflag:s24] =	ssyncadd.s32 $0xFFFFFF80  }
0x75: {  	_ =	swait.ge [sflag:s26], $0x4000  }
0x76: {  	[sflag:s26] =	ssyncset.done $0x0  }
0x77: {  	[sflag:s26] =	ssyncadd.s32 $0xFFFFC000  }
0x78: {  	[tilespmem:s28], [sflag:$0x2] =	stream.indirect.gather [hbm4b:s1+s21], $0x80, s23, s21, $0xb8;
	[tilespmem:$0x1BE00] =	vst v63  }
0x79: {  	_ = 	snop  }
0x7a: {  	[spmem:s3] =	stream.indirect.scatter.add.f32 [tilespmem:s22], [sflag:$0x4], $0x80, s21, s21, $0xb8;
	[tilespmem:$0x1BE00] =	vst v63  }
0x7b: {  	_ =	swait.ge [sflag:s24], $0x4000  }
0x7c: {  	[sflag:s24] =	ssyncset.done $0x0  }
0x7d: {  	[sflag:s24] =	ssyncadd.s32 $0xFFFFC000  }
0x7e: {  	[tilespmem:s4], [sflag:$0x4] =	stream.linear.gather [hbm4b:s11+s4], $0x80, $0x38;
	[tilespmem:$0x1BE00] =	vst v63  }
0x7f: {  	_ =	swait.ge [sflag:s24], $0x80  }
0x80: {  	[sflag:s24] =	ssyncset.done $0x0  }
0x81: {  	[sflag:s24] =	ssyncadd.s32 $0xFFFFFF80  }
0x82: {  	[tilespmem:s21], [sflag:$0x4] =	stream.linear.gather [hbm4b:s12+s4], $0x80, $0x38;
	[tilespmem:$0x1BE00] =	vst v63  }
0x83: {  	_ =	swait.ge [sflag:s24], $0x80  }
0x84: {  	[sflag:s24] =	ssyncset.done $0x0  }
0x85: {  	[sflag:s24] =	ssyncadd.s32 $0xFFFFFF80  }
0x86: {  	_ =	swait.ge [sflag:s29], $0x4000  }
0x87: {  	[sflag:s29] =	ssyncset.done $0x0  }
0x88: {  	[sflag:s29] =	ssyncadd.s32 $0xFFFFC000  }
0x89: {  	[tilespmem:s22], [sflag:$0x1] =	stream.indirect.gather [hbm4b:s1+s21], $0x80, s4, s21, $0xb8;
	[tilespmem:$0x1BE00] =	vst v63  }
0x8a: {  	_ = 	snop  }
0x8b: {  	[spmem:s3] =	stream.indirect.scatter.add.f32 [tilespmem:s28], [sflag:$0x3], $0x80, s25, s21, $0xb8;
	[tilespmem:$0x1BE00] =	vst v63  }
0x8c: {  	_ =	swait.ge [sflag:s20], $0x4000  }
0x8d: {  	[sflag:s20] =	ssyncset.done $0x0  }
0x8e: {  	[sflag:s20] =	ssyncadd.s32 $0xFFFFC000  }
0x8f: {  	[tilespmem:s23], [sflag:$0x4] =	stream.linear.gather [hbm4b:s11+s4], $0x80, $0x38;
	[tilespmem:$0x1BE00] =	vst v63  }
0x90: {  	_ =	swait.ge [sflag:s24], $0x80  }
0x91: {  	[sflag:s24] =	ssyncset.done $0x0  }
0x92: {  	[sflag:s24] =	ssyncadd.s32 $0xFFFFFF80  }
0x93: {  	[tilespmem:s25], [sflag:$0x4] =	stream.linear.gather [hbm4b:s12+s4], $0x80, $0x38;
	[tilespmem:$0x1BE00] =	vst v63  }
0x94: {  	_ =	swait.ge [sflag:s24], $0x80  }
0x95: {  	[sflag:s24] =	ssyncset.done $0x0  }
0x96: {  	[sflag:s24] =	ssyncadd.s32 $0xFFFFFF80  }
0x97: {  	_ =	swait.ge [sflag:s26], $0x4000  }
0x98: {  	[sflag:s26] =	ssyncset.done $0x0  }
0x99: {  	[sflag:s26] =	ssyncadd.s32 $0xFFFFC000  }
0x9a: {  	[tilespmem:s28], [sflag:$0x2] =	stream.indirect.gather [hbm4b:s1+s21], $0x80, s23, s21, $0xb8;
	[tilespmem:$0x1BE00] =	vst v63  }
0x9b: {  	_ = 	snop  }
0x9c: {  	[spmem:s3] =	stream.indirect.scatter.add.f32 [tilespmem:s22], [sflag:$0x4], $0x80, s21, s21, $0xb8;
	[tilespmem:$0x1BE00] =	vst v63  }
0x9d: {  	_ =	swait.ge [sflag:s24], $0x4000  }
0x9e: {  	[sflag:s24] =	ssyncset.done $0x0  }
0x9f: {  	[sflag:s24] =	ssyncadd.s32 $0xFFFFC000  }
0xa0: {  	[tilespmem:s4], [sflag:$0x4] =	stream.linear.gather [hbm4b:s11+s4], $0x80, $0x38;
	[tilespmem:$0x1BE00] =	vst v63  }
0xa1: {  	_ =	swait.ge [sflag:s24], $0x80  }
0xa2: {  	[sflag:s24] =	ssyncset.done $0x0  }
0xa3: {  	[sflag:s24] =	ssyncadd.s32 $0xFFFFFF80  }
0xa4: {  	[tilespmem:s21], [sflag:$0x4] =	stream.linear.gather [hbm4b:s12+s4], $0x80, $0x38;
	[tilespmem:$0x1BE00] =	vst v63  }
0xa5: {  	_ =	swait.ge [sflag:s24], $0x80  }
0xa6: {  	[sflag:s24] =	ssyncset.done $0x0  }
0xa7: {  	[sflag:s24] =	ssyncadd.s32 $0xFFFFFF80  }
0xa8: {  	_ =	swait.ge [sflag:s29], $0x4000  }
0xa9: {  	[sflag:s29] =	ssyncset.done $0x0  }
0xaa: {  	[sflag:s29] =	ssyncadd.s32 $0xFFFFC000  }
0xab: {  	[tilespmem:s22], [sflag:$0x1] =	stream.indirect.gather [hbm4b:s1+s21], $0x80, s4, s21, $0xb8;
	[tilespmem:$0x1BE00] =	vst v63  }
0xac: {  	_ =	swait.ge [sflag:s26], $0x4000  }
0xad: {  	s30 =	sadd.s32 $0x1, s30;
	[sflag:s26] =	ssyncset.done $0x0  }
0xae: {  	p0 =	sne.s32 s30, s10;
	[sflag:s26] =	ssyncadd.s32 $0xFFFFC000  }
.Ltmp1:
0xaf: {  	[bflag:$0x0] =	sbarrier.arrive $0xFFFF;
	(pc) =	sbr.rel @p0 .LBB2_1-.Ltmp1, $4  }
0xb0: {  	[hbm:s9], [sflag:s6] =	dma.local [spmem:s19], $0x2780  }
0xb1: {  	_ =	swait.ge [sflag:s20], $0x2780  }
0xb2: {  	[sflag:s20] =	ssyncset.done $0x0  }
0xb3: {  	[sflag:s20] =	ssyncadd.s32 $0xFFFFD880  }
0xb4: {  	_ =	sfence.sel $0x180000  }
0xb5: {  	[bflag:$0x0] =	sbarrier.arrive $0xFFFF  }
0xb6: {  	_ =	strace $0x90000047  }
0xb7: {  	s0 =	stileid.u32;
	[bflag:$0x2] =	sbarrier.arrive $0xFFFF  }
0xb8: {  	p0 =	sne.s32 s0, $0x0;
	s0 =	rddreg [dreg:$0x4]  }
0xb9: {  	s0 =	sadd.s32 @!p0 $0x100000, s0  }
0xba: {  	[sflag:s0] =	ssyncadd.tile.s32 @!p0 $0x1;
	_ =	shalt  }
.Lfunc_end2:
_tile_overlayer_lowered:
.L_overlay_start_2:
0xbb: {  	(tag) =	ssettag $0x2  }
0xbc: {  	s0 =	rddreg [dreg:$0x0];
	s2 =	stileid.u32  }
0xbd: {  	s1 =	rddreg [dreg:$0x1];
	p0 =	sne.s32 s2, $0x0  }
0xbe: {  	s3 =	rddreg [dreg:$0x2];
	[bflag:$0x3] =	sbarrier.arrive $0xFFFF;
	s2 =	simm.s32 @!p0 $0x1C03  }
0xbf: {  	[timem:s3], [sflag:s2] =	dma.local @!p0 [hbm:s0], s1  }
0xc0: {  	s0 =	simm.s32 @!p0 $0x3  }
0xc1: {  	_ =	swait.ge @!p0 [sflag:s0], s1  }
0xc2: {  	s1 =	ssub.s32 @!p0 $0x0, s1;
	[sflag:s0] =	ssyncset.done @!p0 $0x0  }
0xc3: {  	[sflag:s0] =	ssyncadd.s32 @!p0 s1  }
0xc4: {  	[bflag:$0x3] =	sbarrier.arrive $0xFFFF  }
0xc5: {  	_ =	shalt  }

</sc_bundles>
